<compile_context>
chip_gen: v7x
topology: tpu7x:2x2x1
jax: 0.10.2.dev20260603
libtpu: 0.0.44.dev20260713+nightly
codegen_flags: <defaults>
</compile_context>

<pallas_src>
import functools

import jax
import jax.numpy as jnp
from jax import lax
from jax.experimental import pallas as pl
from jax.experimental.pallas import tpu as pltpu
from jax.experimental.pallas import tpu_sc as plsc

S, I, H, C, O = 2048, 768, 768, 8192, 768
G = 3 * H
TS = 256

_NC, _NS = 2, 16
_NW = _NC * _NS
_BPW = S // _NW


def _gi_body(x_ref, w_ref, b_ref, o_ref):
    o_ref[...] = (
        lax.dot_general(
            x_ref[...],
            w_ref[...],
            (((1,), (1,)), ((), ())),
            preferred_element_type=jnp.float32,
        )
        + b_ref[...]
    )


_UB = 8


def _gru_wta_body(
    gi_ref, w_ref, b_ref, h0_ref, wc_ref, bc_ref,
    hn_ref, idx_ref, val_ref, hout_ref,
):
    bhh = b_ref[...]

    def block(i, h):
        base = pl.multiple_of(i * _UB, _UB)
        gi4 = gi_ref[pl.ds(base, _UB), :]
        hs = []
        for j in range(_UB):
            hb = h.astype(jnp.bfloat16)
            gi = gi4[j : j + 1, :]
            gh = (
                jnp.dot(hb, w_ref[...], preferred_element_type=jnp.float32)
                + bhh
            )
            r = jax.nn.sigmoid(gi[:, 0:H] + gh[:, 0:H])
            z = jax.nn.sigmoid(gi[:, H : 2 * H] + gh[:, H : 2 * H])
            n = jnp.tanh(gi[:, 2 * H : 3 * H] + r * gh[:, 2 * H : 3 * H])
            h = (1.0 - z) * n + z * h
            hs.append(h)
        hout_ref[pl.ds(base, _UB), :] = jnp.concatenate(hs, axis=0)
        return h

    h = lax.fori_loop(0, S // _UB, block, h0_ref[...])
    hn_ref[...] = h

    def wta_chunk(c, _):
        cbase = pl.multiple_of(c * TS, TS)
        hc = hout_ref[pl.ds(cbase, TS), :].astype(jnp.bfloat16)
        scores = (
            lax.dot_general(
                hc,
                wc_ref[...],
                (((1,), (1,)), ((), ())),
                preferred_element_type=jnp.float32,
            )
            + bc_ref[...]
        )
        val_ref[pl.ds(c, 1), 0, :] = jnp.max(scores, axis=1)[None, :]
        idx_ref[pl.ds(c, 1), 0, :] = (
            jnp.argmax(scores, axis=1).astype(jnp.int32)[None, :]
        )
        return 0

    lax.fori_loop(0, S // TS, wta_chunk, 0)


def _finish_body(g_ref, v_ref, b_ref, o_ref):
    v = v_ref[...]
    x = g_ref[...] * (v / jnp.abs(v)) + b_ref[...]
    m = jnp.max(x, axis=1, keepdims=True)
    lse = jnp.log(jnp.sum(jnp.exp(x - m), axis=1, keepdims=True)) + m
    o_ref[...] = x - lse


def _sc_gather_body(table_hbm, idx_hbm, out_hbm, idx_v, rows_v, sem):
    wid = lax.axis_index("s") * _NC + lax.axis_index("c")
    base = wid * _BPW
    pltpu.sync_copy(idx_hbm.at[pl.ds(base, _BPW)], idx_v)
    pltpu.async_copy(table_hbm.at[idx_v], rows_v, sem).wait()
    pltpu.sync_copy(rows_v, out_hbm.at[pl.ds(base, _BPW)])


def _gather(table, idx):
    mesh = plsc.VectorSubcoreMesh(core_axis_name="c", subcore_axis_name="s")
    k = functools.partial(
        pl.kernel,
        mesh=mesh,
        out_type=jax.ShapeDtypeStruct((S, O), jnp.float32),
        scratch_types=[
            pltpu.VMEM((_BPW,), jnp.int32),
            pltpu.VMEM((_BPW, O), jnp.float32),
            pltpu.SemaphoreType.DMA,
        ],
    )(_sc_gather_body)
    return k(table, idx)


def kernel(input, hidden1, W_ih, W_hh, b_ih, b_hh, W_h2c, b_h2c, W_c2o, b_c2o):
    x = input[:, 0, :]
    h0 = hidden1[0]

    gi = pl.pallas_call(
        _gi_body,
        grid=(S // TS,),
        in_specs=[
            pl.BlockSpec((TS, I), lambda i: (i, 0)),
            pl.BlockSpec((G, I), lambda i: (0, 0)),
            pl.BlockSpec((1, G), lambda i: (0, 0)),
        ],
        out_specs=pl.BlockSpec((TS, G), lambda i: (i, 0)),
        out_shape=jax.ShapeDtypeStruct((S, G), jnp.float32),
    )(x, W_ih, b_ih.reshape(1, G))

    hn, idx3, val3 = pl.pallas_call(
        _gru_wta_body,
        out_shape=[
            jax.ShapeDtypeStruct((1, H), jnp.float32),
            jax.ShapeDtypeStruct((S // TS, 1, TS), jnp.int32),
            jax.ShapeDtypeStruct((S // TS, 1, TS), jnp.float32),
        ],
        scratch_shapes=[pltpu.VMEM((S, H), jnp.float32)],
    )(
        gi,
        W_hh.astype(jnp.bfloat16).T,
        b_hh.reshape(1, G),
        h0,
        W_h2c.astype(jnp.bfloat16),
        b_h2c.reshape(1, C),
    )

    rows = _gather(W_c2o.T, idx3.reshape(S))

    out = pl.pallas_call(
        _finish_body,
        grid=(S // TS,),
        in_specs=[
            pl.BlockSpec((TS, O), lambda i: (i, 0)),
            pl.BlockSpec((TS, 1), lambda i: (i, 0)),
            pl.BlockSpec((1, O), lambda i: (0, 0)),
        ],
        out_specs=pl.BlockSpec((TS, O), lambda i: (i, 0)),
        out_shape=jax.ShapeDtypeStruct((S, O), jnp.float32),
    )(rows, val3.reshape(S, 1), b_c2o.reshape(1, O))

    return out.reshape(S, 1, O), hn.reshape(1, 1, H)

# --- scband reference (transcript-rebuilt; emitter-appended) ---
"""Pipeline reference for scband-gru-nlp-wta-15324443312626 (READ-ONLY COPY).

The authoritative reference and input builder live on the scoring server;
editing this copy changes nothing except your own understanding.
"""

import jax, jax.numpy as jnp
import numpy as np

S, B, I, H, C, O = 2048, 1, 768, 768, 8192, 768


def setup_inputs(seed: int = 0) -> dict:
    key = jax.random.key(seed)
    ks = jax.random.split(key, 12)
    s = 1.0 / np.sqrt(H)
    sc = 1.0 / np.sqrt(C)
    return {
        "input": jax.random.normal(ks[0], (S, B, I), dtype=jnp.float32),
        "hidden1": jnp.zeros((1, B, H), dtype=jnp.float32),
        "W_ih": jax.random.uniform(ks[1], (3 * H, I), minval=-s, maxval=s, dtype=jnp.float32),
        "W_hh": jax.random.uniform(ks[2], (3 * H, H), minval=-s, maxval=s, dtype=jnp.float32),
        "b_ih": jax.random.uniform(ks[3], (3 * H,), minval=-s, maxval=s, dtype=jnp.float32),
        "b_hh": jax.random.uniform(ks[4], (3 * H,), minval=-s, maxval=s, dtype=jnp.float32),
        "W_h2c": jax.random.uniform(ks[5], (C, H), minval=-s, maxval=s, dtype=jnp.float32),
        "b_h2c": jax.random.uniform(ks[6], (C,), minval=-s, maxval=s, dtype=jnp.float32),
        "W_c2o": jax.random.uniform(ks[7], (O, C), minval=-sc, maxval=sc, dtype=jnp.float32),
        "b_c2o": jax.random.uniform(ks[8], (O,), minval=-sc, maxval=sc, dtype=jnp.float32),
    }


def _gru(x, h0, W_ih, W_hh, b_ih, b_hh):
    def step(h, xt):
        gi = xt @ W_ih.T + b_ih
        gh = h @ W_hh.T + b_hh
        i_r, i_z, i_n = jnp.split(gi, 3, axis=-1)
        h_r, h_z, h_n = jnp.split(gh, 3, axis=-1)
        r = jax.nn.sigmoid(i_r + h_r)
        z = jax.nn.sigmoid(i_z + h_z)
        n = jnp.tanh(i_n + r * h_n)
        h_new = (1.0 - z) * n + z * h
        return h_new, h_new
    hT, hout = jax.lax.scan(step, h0[0], x)
    return hout, hT[None, :, :]


def reference(input, hidden1, W_ih, W_hh, b_ih, b_hh, W_h2c, b_h2c, W_c2o, b_c2o):
    # GRU
    hout, hn = _gru(input, hidden1, W_ih, W_hh, b_ih, b_hh)
    # h2c linear
    hout2con = hout @ W_h2c.T + b_h2c
    # WTA: schedule=1.0 -> Nind = int(0 * (C-2) * 0.3) + 1 = 1
    Nind = 1
    _, idx = jax.lax.top_k(hout2con, Nind)  # equivalent to argsort(-x)[..., :Nind]
    idx = jax.lax.stop_gradient(idx)
    concept_layer = jax.nn.one_hot(idx, C, dtype=hout2con.dtype).sum(axis=-2)
    # wta_noise = 0.0 -> no noise added
    hout2con_masked = hout2con * concept_layer
    hout2con_masked = hout2con_masked / jnp.linalg.norm(hout2con_masked, ord=2, axis=-1, keepdims=True)
    output = hout2con_masked @ W_c2o.T + b_c2o
    output = jax.nn.log_softmax(output, axis=-1)
    return (output, hn)

if __name__ == "__main__":
    import jax
    _d = setup_inputs()
    print(jax.jit(kernel)(*tuple(_d.values())))

</pallas_src>

<mosaic_0001>
#map = affine_map<(d0, d1) -> (0, 0)>
#map1 = affine_map<(d0, d1) -> (0)>
module attributes {stable_mosaic.version = 14 : i64} {
  func.func @_sc_gather_body(%arg0: i32, %arg1: i32, %arg2: memref<8192x768xf32, #tpu.memory_space<hbm>>, %arg3: memref<2048xi32, #tpu.memory_space<hbm>>, %arg4: memref<2048x768xf32, #tpu.memory_space<hbm>>, %arg5: memref<64xi32, #tpu.memory_space<vmem>>, %arg6: memref<64x768xf32, #tpu.memory_space<vmem>>, %arg7: memref<!tpu.dma_semaphore, #tpu.memory_space<semaphore_mem>>) attributes {dimension_semantics = [#tpu.dimension_semantics<core_parallel>, #tpu.dimension_semantics<subcore_parallel>], iteration_bounds = array<i64: 2, 16>, scalar_prefetch = 0 : i64, scratch_operands = 3 : i64, tpu.core_type = #tpu.core_type<sc_vector_subcore>, window_params = [{transform_indices = #map}, {transform_indices = #map1}, {transform_indices = #map}]} {
    %mul3A = arith.constant 2 : i32
    %mul3A_0 = arith.muli %arg1, %mul3A : i32
    %add3A = arith.addi %mul3A_0, %arg0 : i32
    %mul3A_1 = arith.constant 64 : i32
    %mul3A_2 = arith.muli %add3A, %mul3A_1 : i32
    "tpu.region"() ({
      %run_scoped3A = tpu.sem_alloc : memref<!tpu.dma_semaphore, #tpu.memory_space<semaphore_mem>>
      %dma_start3A_7 = tpu.memref_slice %arg3[%mul3A_2] : memref<2048xi32, #tpu.memory_space<hbm>> -> memref<64xi32, #tpu.memory_space<hbm>>
      %dma_start3A_8 = tpu.memref_slice %arg3[%mul3A_2] : memref<2048xi32, #tpu.memory_space<hbm>> -> memref<64xi32, #tpu.memory_space<hbm>>
      tpu.enqueue_dma source(%dma_start3A_8 : memref<64xi32, #tpu.memory_space<hbm>>) target(%arg5 : memref<64xi32, #tpu.memory_space<vmem>>) target_semaphore(%run_scoped3A : memref<!tpu.dma_semaphore, #tpu.memory_space<semaphore_mem>>)
      %dma_wait3A_9 = tpu.memref_slice %arg3[%mul3A_2] : memref<2048xi32, #tpu.memory_space<hbm>> -> memref<64xi32, #tpu.memory_space<hbm>>
      %dma_wait3A_10 = tpu.memref_slice %arg3[%mul3A_2] : memref<2048xi32, #tpu.memory_space<hbm>> -> memref<64xi32, #tpu.memory_space<hbm>>
      tpu.wait_dma2 semaphore(%run_scoped3A : memref<!tpu.dma_semaphore, #tpu.memory_space<semaphore_mem>>) src(%dma_wait3A_10 : memref<64xi32, #tpu.memory_space<hbm>>) dst(%arg5 : memref<64xi32, #tpu.memory_space<vmem>>)
      tpu.yield
    }) : () -> ()
    %dma_start3A = arith.constant 0 : i32
    %dma_start3A_3 = arith.constant 0 : i32
    %dma_start3A_4 = tpu.memref_slice %arg2[%dma_start3A, %dma_start3A_3] : memref<8192x768xf32, #tpu.memory_space<hbm>> -> memref<8192x768xf32, #tpu.memory_space<hbm>>
    tpu.enqueue_indirect_dma source(%dma_start3A_4 : memref<8192x768xf32, #tpu.memory_space<hbm>>) target(%arg6 : memref<64x768xf32, #tpu.memory_space<vmem>>) offsets(%arg5 : memref<64xi32, #tpu.memory_space<vmem>>) semaphore(%arg7 : memref<!tpu.dma_semaphore, #tpu.memory_space<semaphore_mem>>)
    %dma_wait3A = arith.constant 0 : i32
    %dma_wait3A_5 = arith.constant 0 : i32
    %dma_wait3A_6 = tpu.memref_slice %arg2[%dma_wait3A, %dma_wait3A_5] : memref<8192x768xf32, #tpu.memory_space<hbm>> -> memref<8192x768xf32, #tpu.memory_space<hbm>>
    tpu.wait_indirect_dma semaphore(%arg7 : memref<!tpu.dma_semaphore, #tpu.memory_space<semaphore_mem>>) src(%dma_wait3A_6 : memref<8192x768xf32, #tpu.memory_space<hbm>>) dst(%arg6 : memref<64x768xf32, #tpu.memory_space<vmem>>)
    "tpu.region"() ({
      %run_scoped3A = tpu.sem_alloc : memref<!tpu.dma_semaphore, #tpu.memory_space<semaphore_mem>>
      %dma_start3A_7 = arith.constant 0 : i32
      %dma_start3A_8 = tpu.memref_slice %arg4[%mul3A_2, %dma_start3A_7] : memref<2048x768xf32, #tpu.memory_space<hbm>> -> memref<64x768xf32, #tpu.memory_space<hbm>>
      %dma_start3A_9 = arith.constant 0 : i32
      %dma_start3A_10 = tpu.memref_slice %arg4[%mul3A_2, %dma_start3A_9] : memref<2048x768xf32, #tpu.memory_space<hbm>> -> memref<64x768xf32, #tpu.memory_space<hbm>>
      tpu.enqueue_dma source(%arg6 : memref<64x768xf32, #tpu.memory_space<vmem>>) target(%dma_start3A_10 : memref<64x768xf32, #tpu.memory_space<hbm>>) target_semaphore(%run_scoped3A : memref<!tpu.dma_semaphore, #tpu.memory_space<semaphore_mem>>)
      %dma_wait3A_11 = arith.constant 0 : i32
      %dma_wait3A_12 = tpu.memref_slice %arg4[%mul3A_2, %dma_wait3A_11] : memref<2048x768xf32, #tpu.memory_space<hbm>> -> memref<64x768xf32, #tpu.memory_space<hbm>>
      %dma_wait3A_13 = arith.constant 0 : i32
      %dma_wait3A_14 = tpu.memref_slice %arg4[%mul3A_2, %dma_wait3A_13] : memref<2048x768xf32, #tpu.memory_space<hbm>> -> memref<64x768xf32, #tpu.memory_space<hbm>>
      tpu.wait_dma2 semaphore(%run_scoped3A : memref<!tpu.dma_semaphore, #tpu.memory_space<semaphore_mem>>) src(%arg6 : memref<64x768xf32, #tpu.memory_space<vmem>>) dst(%dma_wait3A_14 : memref<64x768xf32, #tpu.memory_space<hbm>>)
      tpu.yield
    }) : () -> ()
    return
  }
}

module attributes {stable_mosaic.version = 14 : i64} {
  func.func @_gi_body(%arg0: i32, %arg1: memref<256x768xf32, #tpu.memory_space<vmem>>, %arg2: memref<2304x768xf32, #tpu.memory_space<vmem>>, %arg3: memref<1x2304xf32, #tpu.memory_space<vmem>>, %arg4: memref<256x2304xf32, #tpu.memory_space<vmem>>) attributes {dimension_semantics = [#tpu.dimension_semantics<arbitrary>], iteration_bounds = array<i64: 8>, scalar_prefetch = 0 : i64, scratch_operands = 0 : i64, tpu.core_type = #tpu.core_type<tc>, window_params = [{transform_indices = @transform_0, window_bounds = array<i64: 256, 768>}, {pipeline_mode = #tpu.pipeline_mode<synchronous>, transform_indices = @transform_1, window_bounds = array<i64: 2304, 768>}, {pipeline_mode = #tpu.pipeline_mode<synchronous>, transform_indices = @transform_2, window_bounds = array<i64: 1, 2304>}, {transform_indices = @transform_3, window_bounds = array<i64: 256, 2304>}]} {
    %get3A = arith.constant 0 : index
    %get3A_0 = arith.constant 0 : index
    %get3A_1 = vector.load %arg1[%get3A, %get3A_0] : memref<256x768xf32, #tpu.memory_space<vmem>>, vector<256x768xf32>
    %get3A_2 = arith.constant 0 : index
    %get3A_3 = arith.constant 0 : index
    %get3A_4 = vector.load %arg2[%get3A_2, %get3A_3] : memref<2304x768xf32, #tpu.memory_space<vmem>>, vector<2304x768xf32>
    %dot_general3A = arith.constant dense<0.000000e+00> : vector<256x2304xf32>
    %dot_general3A_5 = tpu.matmul %get3A_1, %get3A_4, %dot_general3A {dimension_numbers = #tpu.dot_dimension_numbers<[1], [1], [0], [0], [0, 0, 1, 0], [], []>, transpose_lhs_hint = false} : vector<256x768xf32>, vector<2304x768xf32>, vector<256x2304xf32> -> vector<256x2304xf32>
    %get3A_6 = arith.constant 0 : index
    %get3A_7 = arith.constant 0 : index
    %get3A_8 = vector.load %arg3[%get3A_6, %get3A_7] : memref<1x2304xf32, #tpu.memory_space<vmem>>, vector<1x2304xf32>
    %add3A = vector.broadcast %get3A_8 : vector<1x2304xf32> to vector<256x2304xf32>
    %add3A_9 = arith.addf %dot_general3A_5, %add3A : vector<256x2304xf32>
    %swap3A = arith.constant 0 : index
    %swap3A_10 = arith.constant 0 : index
    %swap3A_11 = vector.load %arg4[%swap3A, %swap3A_10] : memref<256x2304xf32, #tpu.memory_space<vmem>>, vector<256x2304xf32>
    tpu.vector_store %arg4[%swap3A, %swap3A_10], %add3A_9 {strides = array<i32>} : memref<256x2304xf32, #tpu.memory_space<vmem>>, vector<256x2304xf32>,
    return
  }
  func.func @transform_0(%arg0: i32) -> (i32, i32) {
    %c0_i32 = arith.constant 0 : i32
    %c0_i32_0 = arith.constant 0 : i32
    return %arg0, %c0_i32 : i32, i32
  }
  func.func @transform_1(%arg0: i32) -> (i32, i32) {
    %c0_i32 = arith.constant 0 : i32
    %c0_i32_0 = arith.constant 0 : i32
    %c0_i32_1 = arith.constant 0 : i32
    return %c0_i32, %c0_i32_0 : i32, i32
  }
  func.func @transform_2(%arg0: i32) -> (i32, i32) {
    %c0_i32 = arith.constant 0 : i32
    %c0_i32_0 = arith.constant 0 : i32
    %c0_i32_1 = arith.constant 0 : i32
    return %c0_i32, %c0_i32_0 : i32, i32
  }
  func.func @transform_3(%arg0: i32) -> (i32, i32) {
    %c0_i32 = arith.constant 0 : i32
    %c0_i32_0 = arith.constant 0 : i32
    return %arg0, %c0_i32 : i32, i32
  }
}

module attributes {stable_mosaic.version = 14 : i64} {
  func.func @_gru_wta_body(%arg0: memref<2048x2304xf32, #tpu.memory_space<vmem>>, %arg1: memref<768x2304xbf16, #tpu.memory_space<vmem>>, %arg2: memref<1x2304xf32, #tpu.memory_space<vmem>>, %arg3: memref<1x768xf32, #tpu.memory_space<vmem>>, %arg4: memref<8192x768xbf16, #tpu.memory_space<vmem>>, %arg5: memref<1x8192xf32, #tpu.memory_space<vmem>>, %arg6: memref<1x768xf32, #tpu.memory_space<vmem>>, %arg7: memref<8x1x256xi32, #tpu.memory_space<vmem>>, %arg8: memref<8x1x256xf32, #tpu.memory_space<vmem>>, %arg9: memref<2048x768xf32, #tpu.memory_space<vmem>>) attributes {dimension_semantics = [], scalar_prefetch = 0 : i64, scratch_operands = 1 : i64, tpu.core_type = #tpu.core_type<tc>} {
    %get3A = arith.constant 0 : index
    %get3A_0 = arith.constant 0 : index
    %get3A_1 = vector.load %arg2[%get3A, %get3A_0] : memref<1x2304xf32, #tpu.memory_space<vmem>>, vector<1x2304xf32>
    %get3A_2 = arith.constant 0 : index
    %get3A_3 = arith.constant 0 : index
    %get3A_4 = vector.load %arg3[%get3A_2, %get3A_3] : memref<1x768xf32, #tpu.memory_space<vmem>>, vector<1x768xf32>
    %scan3A = arith.constant 0 : i32
    %scan3A_5 = arith.constant 256 : i32
    %scan3A_6 = arith.addi %scan3A, %scan3A_5 : i32
    %scan3A_7 = arith.constant 1 : i32
    %scan3A_8 = scf.for %scan3A_17 = %scan3A to %scan3A_6 step %scan3A_7 iter_args(%scan3A_18 = %get3A_4) -> (vector<1x768xf32>)  : i32 {
      %mul3A = arith.constant 8 : i32
      %mul3A_19 = arith.muli %scan3A_17, %mul3A : i32
      %multiple_of3A = tpu.assume_multiple %mul3A_19, 8 : i32
      %get3A_20 = arith.index_cast %multiple_of3A : i32 to index
      %get3A_21 = arith.constant 0 : index
      %get3A_22 = vector.load %arg0[%get3A_20, %get3A_21] : memref<2048x2304xf32, #tpu.memory_space<vmem>>, vector<8x2304xf32>
      %convert_element_type3A = arith.truncf %scan3A_18 : vector<1x768xf32> to vector<1x768xbf16>
      %slice3A = vector.extract_strided_slice %get3A_22 {offsets = [0, 0], sizes = [1, 2304], strides = [1, 1]} : vector<8x2304xf32> to vector<1x2304xf32>
      %get3A_23 = arith.constant 0 : index
      %get3A_24 = arith.constant 0 : index
      %get3A_25 = vector.load %arg1[%get3A_23, %get3A_24] : memref<768x2304xbf16, #tpu.memory_space<vmem>>, vector<768x2304xbf16>
      %dot_general3A = arith.constant dense<0.000000e+00> : vector<1x2304xf32>
      %dot_general3A_26 = tpu.matmul %convert_element_type3A, %get3A_25, %dot_general3A {dimension_numbers = #tpu.dot_dimension_numbers<[1], [0], [0], [1], [0, 0, 1, 1], [], []>, transpose_lhs_hint = false} : vector<1x768xbf16>, vector<768x2304xbf16>, vector<1x2304xf32> -> vector<1x2304xf32>
      %add3A = arith.addf %dot_general3A_26, %get3A_1 : vector<1x2304xf32>
      %slice3A_27 = vector.extract_strided_slice %slice3A {offsets = [0, 0], sizes = [1, 768], strides = [1, 1]} : vector<1x2304xf32> to vector<1x768xf32>
      %slice3A_28 = vector.extract_strided_slice %add3A {offsets = [0, 0], sizes = [1, 768], strides = [1, 1]} : vector<1x2304xf32> to vector<1x768xf32>
      %add3A_29 = arith.addf %slice3A_27, %slice3A_28 : vector<1x768xf32>
      %logistic3A = arith.negf %add3A_29 : vector<1x768xf32>
      %logistic3A_30 = math.exp %logistic3A : vector<1x768xf32>
      %logistic3A_31 = arith.constant 1.000000e+00 : f32
      %logistic3A_32 = vector.broadcast %logistic3A_31 : f32 to vector<1x768xf32>
      %logistic3A_33 = arith.addf %logistic3A_32, %logistic3A_30 : vector<1x768xf32>
      %logistic3A_34 = arith.divf %logistic3A_32, %logistic3A_33 : vector<1x768xf32>
      %slice3A_35 = vector.extract_strided_slice %slice3A {offsets = [0, 768], sizes = [1, 768], strides = [1, 1]} : vector<1x2304xf32> to vector<1x768xf32>
      %slice3A_36 = vector.extract_strided_slice %add3A {offsets = [0, 768], sizes = [1, 768], strides = [1, 1]} : vector<1x2304xf32> to vector<1x768xf32>
      %add3A_37 = arith.addf %slice3A_35, %slice3A_36 : vector<1x768xf32>
      %logistic3A_38 = arith.negf %add3A_37 : vector<1x768xf32>
      %logistic3A_39 = math.exp %logistic3A_38 : vector<1x768xf32>
      %logistic3A_40 = arith.constant 1.000000e+00 : f32
      %logistic3A_41 = vector.broadcast %logistic3A_40 : f32 to vector<1x768xf32>
      %logistic3A_42 = arith.addf %logistic3A_41, %logistic3A_39 : vector<1x768xf32>
      %logistic3A_43 = arith.divf %logistic3A_41, %logistic3A_42 : vector<1x768xf32>
      %slice3A_44 = vector.extract_strided_slice %slice3A {offsets = [0, 1536], sizes = [1, 768], strides = [1, 1]} : vector<1x2304xf32> to vector<1x768xf32>
      %slice3A_45 = vector.extract_strided_slice %add3A {offsets = [0, 1536], sizes = [1, 768], strides = [1, 1]} : vector<1x2304xf32> to vector<1x768xf32>
      %mul3A_46 = arith.mulf %logistic3A_34, %slice3A_45 : vector<1x768xf32>
      %add3A_47 = arith.addf %slice3A_44, %mul3A_46 : vector<1x768xf32>
      %tanh3A = math.tanh %add3A_47 : vector<1x768xf32>
      %sub3A = arith.constant 1.000000e+00 : f32
      %sub3A_48 = vector.broadcast %sub3A : f32 to vector<1x768xf32>
      %sub3A_49 = arith.subf %sub3A_48, %logistic3A_43 : vector<1x768xf32>
      %mul3A_50 = arith.mulf %sub3A_49, %tanh3A : vector<1x768xf32>
      %mul3A_51 = arith.mulf %logistic3A_43, %scan3A_18 : vector<1x768xf32>
      %add3A_52 = arith.addf %mul3A_50, %mul3A_51 : vector<1x768xf32>
      %convert_element_type3A_53 = arith.truncf %add3A_52 : vector<1x768xf32> to vector<1x768xbf16>
      %slice3A_54 = vector.extract_strided_slice %get3A_22 {offsets = [1, 0], sizes = [1, 2304], strides = [1, 1]} : vector<8x2304xf32> to vector<1x2304xf32>
      %get3A_55 = arith.constant 0 : index
      %get3A_56 = arith.constant 0 : index
      %get3A_57 = vector.load %arg1[%get3A_55, %get3A_56] : memref<768x2304xbf16, #tpu.memory_space<vmem>>, vector<768x2304xbf16>
      %dot_general3A_58 = arith.constant dense<0.000000e+00> : vector<1x2304xf32>
      %dot_general3A_59 = tpu.matmul %convert_element_type3A_53, %get3A_57, %dot_general3A_58 {dimension_numbers = #tpu.dot_dimension_numbers<[1], [0], [0], [1], [0, 0, 1, 1], [], []>, transpose_lhs_hint = false} : vector<1x768xbf16>, vector<768x2304xbf16>, vector<1x2304xf32> -> vector<1x2304xf32>
      %add3A_60 = arith.addf %dot_general3A_59, %get3A_1 : vector<1x2304xf32>
      %slice3A_61 = vector.extract_strided_slice %slice3A_54 {offsets = [0, 0], sizes = [1, 768], strides = [1, 1]} : vector<1x2304xf32> to vector<1x768xf32>
      %slice3A_62 = vector.extract_strided_slice %add3A_60 {offsets = [0, 0], sizes = [1, 768], strides = [1, 1]} : vector<1x2304xf32> to vector<1x768xf32>
      %add3A_63 = arith.addf %slice3A_61, %slice3A_62 : vector<1x768xf32>
      %logistic3A_64 = arith.negf %add3A_63 : vector<1x768xf32>
      %logistic3A_65 = math.exp %logistic3A_64 : vector<1x768xf32>
      %logistic3A_66 = arith.constant 1.000000e+00 : f32
      %logistic3A_67 = vector.broadcast %logistic3A_66 : f32 to vector<1x768xf32>
      %logistic3A_68 = arith.addf %logistic3A_67, %logistic3A_65 : vector<1x768xf32>
      %logistic3A_69 = arith.divf %logistic3A_67, %logistic3A_68 : vector<1x768xf32>
      %slice3A_70 = vector.extract_strided_slice %slice3A_54 {offsets = [0, 768], sizes = [1, 768], strides = [1, 1]} : vector<1x2304xf32> to vector<1x768xf32>
      %slice3A_71 = vector.extract_strided_slice %add3A_60 {offsets = [0, 768], sizes = [1, 768], strides = [1, 1]} : vector<1x2304xf32> to vector<1x768xf32>
      %add3A_72 = arith.addf %slice3A_70, %slice3A_71 : vector<1x768xf32>
      %logistic3A_73 = arith.negf %add3A_72 : vector<1x768xf32>
      %logistic3A_74 = math.exp %logistic3A_73 : vector<1x768xf32>
      %logistic3A_75 = arith.constant 1.000000e+00 : f32
      %logistic3A_76 = vector.broadcast %logistic3A_75 : f32 to vector<1x768xf32>
      %logistic3A_77 = arith.addf %logistic3A_76, %logistic3A_74 : vector<1x768xf32>
      %logistic3A_78 = arith.divf %logistic3A_76, %logistic3A_77 : vector<1x768xf32>
      %slice3A_79 = vector.extract_strided_slice %slice3A_54 {offsets = [0, 1536], sizes = [1, 768], strides = [1, 1]} : vector<1x2304xf32> to vector<1x768xf32>
      %slice3A_80 = vector.extract_strided_slice %add3A_60 {offsets = [0, 1536], sizes = [1, 768], strides = [1, 1]} : vector<1x2304xf32> to vector<1x768xf32>
      %mul3A_81 = arith.mulf %logistic3A_69, %slice3A_80 : vector<1x768xf32>
      %add3A_82 = arith.addf %slice3A_79, %mul3A_81 : vector<1x768xf32>
      %tanh3A_83 = math.tanh %add3A_82 : vector<1x768xf32>
      %sub3A_84 = arith.constant 1.000000e+00 : f32
      %sub3A_85 = vector.broadcast %sub3A_84 : f32 to vector<1x768xf32>
      %sub3A_86 = arith.subf %sub3A_85, %logistic3A_78 : vector<1x768xf32>
      %mul3A_87 = arith.mulf %sub3A_86, %tanh3A_83 : vector<1x768xf32>
      %mul3A_88 = arith.mulf %logistic3A_78, %add3A_52 : vector<1x768xf32>
      %add3A_89 = arith.addf %mul3A_87, %mul3A_88 : vector<1x768xf32>
      %convert_element_type3A_90 = arith.truncf %add3A_89 : vector<1x768xf32> to vector<1x768xbf16>
      %slice3A_91 = vector.extract_strided_slice %get3A_22 {offsets = [2, 0], sizes = [1, 2304], strides = [1, 1]} : vector<8x2304xf32> to vector<1x2304xf32>
      %get3A_92 = arith.constant 0 : index
      %get3A_93 = arith.constant 0 : index
      %get3A_94 = vector.load %arg1[%get3A_92, %get3A_93] : memref<768x2304xbf16, #tpu.memory_space<vmem>>, vector<768x2304xbf16>
      %dot_general3A_95 = arith.constant dense<0.000000e+00> : vector<1x2304xf32>
      %dot_general3A_96 = tpu.matmul %convert_element_type3A_90, %get3A_94, %dot_general3A_95 {dimension_numbers = #tpu.dot_dimension_numbers<[1], [0], [0], [1], [0, 0, 1, 1], [], []>, transpose_lhs_hint = false} : vector<1x768xbf16>, vector<768x2304xbf16>, vector<1x2304xf32> -> vector<1x2304xf32>
      %add3A_97 = arith.addf %dot_general3A_96, %get3A_1 : vector<1x2304xf32>
      %slice3A_98 = vector.extract_strided_slice %slice3A_91 {offsets = [0, 0], sizes = [1, 768], strides = [1, 1]} : vector<1x2304xf32> to vector<1x768xf32>
      %slice3A_99 = vector.extract_strided_slice %add3A_97 {offsets = [0, 0], sizes = [1, 768], strides = [1, 1]} : vector<1x2304xf32> to vector<1x768xf32>
      %add3A_100 = arith.addf %slice3A_98, %slice3A_99 : vector<1x768xf32>
      %logistic3A_101 = arith.negf %add3A_100 : vector<1x768xf32>
      %logistic3A_102 = math.exp %logistic3A_101 : vector<1x768xf32>
      %logistic3A_103 = arith.constant 1.000000e+00 : f32
      %logistic3A_104 = vector.broadcast %logistic3A_103 : f32 to vector<1x768xf32>
      %logistic3A_105 = arith.addf %logistic3A_104, %logistic3A_102 : vector<1x768xf32>
      %logistic3A_106 = arith.divf %logistic3A_104, %logistic3A_105 : vector<1x768xf32>
      %slice3A_107 = vector.extract_strided_slice %slice3A_91 {offsets = [0, 768], sizes = [1, 768], strides = [1, 1]} : vector<1x2304xf32> to vector<1x768xf32>
      %slice3A_108 = vector.extract_strided_slice %add3A_97 {offsets = [0, 768], sizes = [1, 768], strides = [1, 1]} : vector<1x2304xf32> to vector<1x768xf32>
      %add3A_109 = arith.addf %slice3A_107, %slice3A_108 : vector<1x768xf32>
      %logistic3A_110 = arith.negf %add3A_109 : vector<1x768xf32>
      %logistic3A_111 = math.exp %logistic3A_110 : vector<1x768xf32>
      %logistic3A_112 = arith.constant 1.000000e+00 : f32
      %logistic3A_113 = vector.broadcast %logistic3A_112 : f32 to vector<1x768xf32>
      %logistic3A_114 = arith.addf %logistic3A_113, %logistic3A_111 : vector<1x768xf32>
      %logistic3A_115 = arith.divf %logistic3A_113, %logistic3A_114 : vector<1x768xf32>
      %slice3A_116 = vector.extract_strided_slice %slice3A_91 {offsets = [0, 1536], sizes = [1, 768], strides = [1, 1]} : vector<1x2304xf32> to vector<1x768xf32>
      %slice3A_117 = vector.extract_strided_slice %add3A_97 {offsets = [0, 1536], sizes = [1, 768], strides = [1, 1]} : vector<1x2304xf32> to vector<1x768xf32>
      %mul3A_118 = arith.mulf %logistic3A_106, %slice3A_117 : vector<1x768xf32>
      %add3A_119 = arith.addf %slice3A_116, %mul3A_118 : vector<1x768xf32>
      %tanh3A_120 = math.tanh %add3A_119 : vector<1x768xf32>
      %sub3A_121 = arith.constant 1.000000e+00 : f32
      %sub3A_122 = vector.broadcast %sub3A_121 : f32 to vector<1x768xf32>
      %sub3A_123 = arith.subf %sub3A_122, %logistic3A_115 : vector<1x768xf32>
      %mul3A_124 = arith.mulf %sub3A_123, %tanh3A_120 : vector<1x768xf32>
      %mul3A_125 = arith.mulf %logistic3A_115, %add3A_89 : vector<1x768xf32>
      %add3A_126 = arith.addf %mul3A_124, %mul3A_125 : vector<1x768xf32>
      %convert_element_type3A_127 = arith.truncf %add3A_126 : vector<1x768xf32> to vector<1x768xbf16>
      %slice3A_128 = vector.extract_strided_slice %get3A_22 {offsets = [3, 0], sizes = [1, 2304], strides = [1, 1]} : vector<8x2304xf32> to vector<1x2304xf32>
      %get3A_129 = arith.constant 0 : index
      %get3A_130 = arith.constant 0 : index
      %get3A_131 = vector.load %arg1[%get3A_129, %get3A_130] : memref<768x2304xbf16, #tpu.memory_space<vmem>>, vector<768x2304xbf16>
      %dot_general3A_132 = arith.constant dense<0.000000e+00> : vector<1x2304xf32>
      %dot_general3A_133 = tpu.matmul %convert_element_type3A_127, %get3A_131, %dot_general3A_132 {dimension_numbers = #tpu.dot_dimension_numbers<[1], [0], [0], [1], [0, 0, 1, 1], [], []>, transpose_lhs_hint = false} : vector<1x768xbf16>, vector<768x2304xbf16>, vector<1x2304xf32> -> vector<1x2304xf32>
      %add3A_134 = arith.addf %dot_general3A_133, %get3A_1 : vector<1x2304xf32>
      %slice3A_135 = vector.extract_strided_slice %slice3A_128 {offsets = [0, 0], sizes = [1, 768], strides = [1, 1]} : vector<1x2304xf32> to vector<1x768xf32>
      %slice3A_136 = vector.extract_strided_slice %add3A_134 {offsets = [0, 0], sizes = [1, 768], strides = [1, 1]} : vector<1x2304xf32> to vector<1x768xf32>
      %add3A_137 = arith.addf %slice3A_135, %slice3A_136 : vector<1x768xf32>
      %logistic3A_138 = arith.negf %add3A_137 : vector<1x768xf32>
      %logistic3A_139 = math.exp %logistic3A_138 : vector<1x768xf32>
      %logistic3A_140 = arith.constant 1.000000e+00 : f32
      %logistic3A_141 = vector.broadcast %logistic3A_140 : f32 to vector<1x768xf32>
      %logistic3A_142 = arith.addf %logistic3A_141, %logistic3A_139 : vector<1x768xf32>
      %logistic3A_143 = arith.divf %logistic3A_141, %logistic3A_142 : vector<1x768xf32>
      %slice3A_144 = vector.extract_strided_slice %slice3A_128 {offsets = [0, 768], sizes = [1, 768], strides = [1, 1]} : vector<1x2304xf32> to vector<1x768xf32>
      %slice3A_145 = vector.extract_strided_slice %add3A_134 {offsets = [0, 768], sizes = [1, 768], strides = [1, 1]} : vector<1x2304xf32> to vector<1x768xf32>
      %add3A_146 = arith.addf %slice3A_144, %slice3A_145 : vector<1x768xf32>
      %logistic3A_147 = arith.negf %add3A_146 : vector<1x768xf32>
      %logistic3A_148 = math.exp %logistic3A_147 : vector<1x768xf32>
      %logistic3A_149 = arith.constant 1.000000e+00 : f32
      %logistic3A_150 = vector.broadcast %logistic3A_149 : f32 to vector<1x768xf32>
      %logistic3A_151 = arith.addf %logistic3A_150, %logistic3A_148 : vector<1x768xf32>
      %logistic3A_152 = arith.divf %logistic3A_150, %logistic3A_151 : vector<1x768xf32>
      %slice3A_153 = vector.extract_strided_slice %slice3A_128 {offsets = [0, 1536], sizes = [1, 768], strides = [1, 1]} : vector<1x2304xf32> to vector<1x768xf32>
      %slice3A_154 = vector.extract_strided_slice %add3A_134 {offsets = [0, 1536], sizes = [1, 768], strides = [1, 1]} : vector<1x2304xf32> to vector<1x768xf32>
      %mul3A_155 = arith.mulf %logistic3A_143, %slice3A_154 : vector<1x768xf32>
      %add3A_156 = arith.addf %slice3A_153, %mul3A_155 : vector<1x768xf32>
      %tanh3A_157 = math.tanh %add3A_156 : vector<1x768xf32>
      %sub3A_158 = arith.constant 1.000000e+00 : f32
      %sub3A_159 = vector.broadcast %sub3A_158 : f32 to vector<1x768xf32>
      %sub3A_160 = arith.subf %sub3A_159, %logistic3A_152 : vector<1x768xf32>
      %mul3A_161 = arith.mulf %sub3A_160, %tanh3A_157 : vector<1x768xf32>
      %mul3A_162 = arith.mulf %logistic3A_152, %add3A_126 : vector<1x768xf32>
      %add3A_163 = arith.addf %mul3A_161, %mul3A_162 : vector<1x768xf32>
      %convert_element_type3A_164 = arith.truncf %add3A_163 : vector<1x768xf32> to vector<1x768xbf16>
      %slice3A_165 = vector.extract_strided_slice %get3A_22 {offsets = [4, 0], sizes = [1, 2304], strides = [1, 1]} : vector<8x2304xf32> to vector<1x2304xf32>
      %get3A_166 = arith.constant 0 : index
      %get3A_167 = arith.constant 0 : index
      %get3A_168 = vector.load %arg1[%get3A_166, %get3A_167] : memref<768x2304xbf16, #tpu.memory_space<vmem>>, vector<768x2304xbf16>
      %dot_general3A_169 = arith.constant dense<0.000000e+00> : vector<1x2304xf32>
      %dot_general3A_170 = tpu.matmul %convert_element_type3A_164, %get3A_168, %dot_general3A_169 {dimension_numbers = #tpu.dot_dimension_numbers<[1], [0], [0], [1], [0, 0, 1, 1], [], []>, transpose_lhs_hint = false} : vector<1x768xbf16>, vector<768x2304xbf16>, vector<1x2304xf32> -> vector<1x2304xf32>
      %add3A_171 = arith.addf %dot_general3A_170, %get3A_1 : vector<1x2304xf32>
      %slice3A_172 = vector.extract_strided_slice %slice3A_165 {offsets = [0, 0], sizes = [1, 768], strides = [1, 1]} : vector<1x2304xf32> to vector<1x768xf32>
      %slice3A_173 = vector.extract_strided_slice %add3A_171 {offsets = [0, 0], sizes = [1, 768], strides = [1, 1]} : vector<1x2304xf32> to vector<1x768xf32>
      %add3A_174 = arith.addf %slice3A_172, %slice3A_173 : vector<1x768xf32>
      %logistic3A_175 = arith.negf %add3A_174 : vector<1x768xf32>
      %logistic3A_176 = math.exp %logistic3A_175 : vector<1x768xf32>
      %logistic3A_177 = arith.constant 1.000000e+00 : f32
      %logistic3A_178 = vector.broadcast %logistic3A_177 : f32 to vector<1x768xf32>
      %logistic3A_179 = arith.addf %logistic3A_178, %logistic3A_176 : vector<1x768xf32>
      %logistic3A_180 = arith.divf %logistic3A_178, %logistic3A_179 : vector<1x768xf32>
      %slice3A_181 = vector.extract_strided_slice %slice3A_165 {offsets = [0, 768], sizes = [1, 768], strides = [1, 1]} : vector<1x2304xf32> to vector<1x768xf32>
      %slice3A_182 = vector.extract_strided_slice %add3A_171 {offsets = [0, 768], sizes = [1, 768], strides = [1, 1]} : vector<1x2304xf32> to vector<1x768xf32>
      %add3A_183 = arith.addf %slice3A_181, %slice3A_182 : vector<1x768xf32>
      %logistic3A_184 = arith.negf %add3A_183 : vector<1x768xf32>
      %logistic3A_185 = math.exp %logistic3A_184 : vector<1x768xf32>
      %logistic3A_186 = arith.constant 1.000000e+00 : f32
      %logistic3A_187 = vector.broadcast %logistic3A_186 : f32 to vector<1x768xf32>
      %logistic3A_188 = arith.addf %logistic3A_187, %logistic3A_185 : vector<1x768xf32>
      %logistic3A_189 = arith.divf %logistic3A_187, %logistic3A_188 : vector<1x768xf32>
      %slice3A_190 = vector.extract_strided_slice %slice3A_165 {offsets = [0, 1536], sizes = [1, 768], strides = [1, 1]} : vector<1x2304xf32> to vector<1x768xf32>
      %slice3A_191 = vector.extract_strided_slice %add3A_171 {offsets = [0, 1536], sizes = [1, 768], strides = [1, 1]} : vector<1x2304xf32> to vector<1x768xf32>
      %mul3A_192 = arith.mulf %logistic3A_180, %slice3A_191 : vector<1x768xf32>
      %add3A_193 = arith.addf %slice3A_190, %mul3A_192 : vector<1x768xf32>
      %tanh3A_194 = math.tanh %add3A_193 : vector<1x768xf32>
      %sub3A_195 = arith.constant 1.000000e+00 : f32
      %sub3A_196 = vector.broadcast %sub3A_195 : f32 to vector<1x768xf32>
      %sub3A_197 = arith.subf %sub3A_196, %logistic3A_189 : vector<1x768xf32>
      %mul3A_198 = arith.mulf %sub3A_197, %tanh3A_194 : vector<1x768xf32>
      %mul3A_199 = arith.mulf %logistic3A_189, %add3A_163 : vector<1x768xf32>
      %add3A_200 = arith.addf %mul3A_198, %mul3A_199 : vector<1x768xf32>
      %convert_element_type3A_201 = arith.truncf %add3A_200 : vector<1x768xf32> to vector<1x768xbf16>
      %slice3A_202 = vector.extract_strided_slice %get3A_22 {offsets = [5, 0], sizes = [1, 2304], strides = [1, 1]} : vector<8x2304xf32> to vector<1x2304xf32>
      %get3A_203 = arith.constant 0 : index
      %get3A_204 = arith.constant 0 : index
      %get3A_205 = vector.load %arg1[%get3A_203, %get3A_204] : memref<768x2304xbf16, #tpu.memory_space<vmem>>, vector<768x2304xbf16>
      %dot_general3A_206 = arith.constant dense<0.000000e+00> : vector<1x2304xf32>
      %dot_general3A_207 = tpu.matmul %convert_element_type3A_201, %get3A_205, %dot_general3A_206 {dimension_numbers = #tpu.dot_dimension_numbers<[1], [0], [0], [1], [0, 0, 1, 1], [], []>, transpose_lhs_hint = false} : vector<1x768xbf16>, vector<768x2304xbf16>, vector<1x2304xf32> -> vector<1x2304xf32>
      %add3A_208 = arith.addf %dot_general3A_207, %get3A_1 : vector<1x2304xf32>
      %slice3A_209 = vector.extract_strided_slice %slice3A_202 {offsets = [0, 0], sizes = [1, 768], strides = [1, 1]} : vector<1x2304xf32> to vector<1x768xf32>
      %slice3A_210 = vector.extract_strided_slice %add3A_208 {offsets = [0, 0], sizes = [1, 768], strides = [1, 1]} : vector<1x2304xf32> to vector<1x768xf32>
      %add3A_211 = arith.addf %slice3A_209, %slice3A_210 : vector<1x768xf32>
      %logistic3A_212 = arith.negf %add3A_211 : vector<1x768xf32>
      %logistic3A_213 = math.exp %logistic3A_212 : vector<1x768xf32>
      %logistic3A_214 = arith.constant 1.000000e+00 : f32
      %logistic3A_215 = vector.broadcast %logistic3A_214 : f32 to vector<1x768xf32>
      %logistic3A_216 = arith.addf %logistic3A_215, %logistic3A_213 : vector<1x768xf32>
      %logistic3A_217 = arith.divf %logistic3A_215, %logistic3A_216 : vector<1x768xf32>
      %slice3A_218 = vector.extract_strided_slice %slice3A_202 {offsets = [0, 768], sizes = [1, 768], strides = [1, 1]} : vector<1x2304xf32> to vector<1x768xf32>
      %slice3A_219 = vector.extract_strided_slice %add3A_208 {offsets = [0, 768], sizes = [1, 768], strides = [1, 1]} : vector<1x2304xf32> to vector<1x768xf32>
      %add3A_220 = arith.addf %slice3A_218, %slice3A_219 : vector<1x768xf32>
      %logistic3A_221 = arith.negf %add3A_220 : vector<1x768xf32>
      %logistic3A_222 = math.exp %logistic3A_221 : vector<1x768xf32>
      %logistic3A_223 = arith.constant 1.000000e+00 : f32
      %logistic3A_224 = vector.broadcast %logistic3A_223 : f32 to vector<1x768xf32>
      %logistic3A_225 = arith.addf %logistic3A_224, %logistic3A_222 : vector<1x768xf32>
      %logistic3A_226 = arith.divf %logistic3A_224, %logistic3A_225 : vector<1x768xf32>
      %slice3A_227 = vector.extract_strided_slice %slice3A_202 {offsets = [0, 1536], sizes = [1, 768], strides = [1, 1]} : vector<1x2304xf32> to vector<1x768xf32>
      %slice3A_228 = vector.extract_strided_slice %add3A_208 {offsets = [0, 1536], sizes = [1, 768], strides = [1, 1]} : vector<1x2304xf32> to vector<1x768xf32>
      %mul3A_229 = arith.mulf %logistic3A_217, %slice3A_228 : vector<1x768xf32>
      %add3A_230 = arith.addf %slice3A_227, %mul3A_229 : vector<1x768xf32>
      %tanh3A_231 = math.tanh %add3A_230 : vector<1x768xf32>
      %sub3A_232 = arith.constant 1.000000e+00 : f32
      %sub3A_233 = vector.broadcast %sub3A_232 : f32 to vector<1x768xf32>
      %sub3A_234 = arith.subf %sub3A_233, %logistic3A_226 : vector<1x768xf32>
      %mul3A_235 = arith.mulf %sub3A_234, %tanh3A_231 : vector<1x768xf32>
      %mul3A_236 = arith.mulf %logistic3A_226, %add3A_200 : vector<1x768xf32>
      %add3A_237 = arith.addf %mul3A_235, %mul3A_236 : vector<1x768xf32>
      %convert_element_type3A_238 = arith.truncf %add3A_237 : vector<1x768xf32> to vector<1x768xbf16>
      %slice3A_239 = vector.extract_strided_slice %get3A_22 {offsets = [6, 0], sizes = [1, 2304], strides = [1, 1]} : vector<8x2304xf32> to vector<1x2304xf32>
      %get3A_240 = arith.constant 0 : index
      %get3A_241 = arith.constant 0 : index
      %get3A_242 = vector.load %arg1[%get3A_240, %get3A_241] : memref<768x2304xbf16, #tpu.memory_space<vmem>>, vector<768x2304xbf16>
      %dot_general3A_243 = arith.constant dense<0.000000e+00> : vector<1x2304xf32>
      %dot_general3A_244 = tpu.matmul %convert_element_type3A_238, %get3A_242, %dot_general3A_243 {dimension_numbers = #tpu.dot_dimension_numbers<[1], [0], [0], [1], [0, 0, 1, 1], [], []>, transpose_lhs_hint = false} : vector<1x768xbf16>, vector<768x2304xbf16>, vector<1x2304xf32> -> vector<1x2304xf32>
      %add3A_245 = arith.addf %dot_general3A_244, %get3A_1 : vector<1x2304xf32>
      %slice3A_246 = vector.extract_strided_slice %slice3A_239 {offsets = [0, 0], sizes = [1, 768], strides = [1, 1]} : vector<1x2304xf32> to vector<1x768xf32>
      %slice3A_247 = vector.extract_strided_slice %add3A_245 {offsets = [0, 0], sizes = [1, 768], strides = [1, 1]} : vector<1x2304xf32> to vector<1x768xf32>
      %add3A_248 = arith.addf %slice3A_246, %slice3A_247 : vector<1x768xf32>
      %logistic3A_249 = arith.negf %add3A_248 : vector<1x768xf32>
      %logistic3A_250 = math.exp %logistic3A_249 : vector<1x768xf32>
      %logistic3A_251 = arith.constant 1.000000e+00 : f32
      %logistic3A_252 = vector.broadcast %logistic3A_251 : f32 to vector<1x768xf32>
      %logistic3A_253 = arith.addf %logistic3A_252, %logistic3A_250 : vector<1x768xf32>
      %logistic3A_254 = arith.divf %logistic3A_252, %logistic3A_253 : vector<1x768xf32>
      %slice3A_255 = vector.extract_strided_slice %slice3A_239 {offsets = [0, 768], sizes = [1, 768], strides = [1, 1]} : vector<1x2304xf32> to vector<1x768xf32>
      %slice3A_256 = vector.extract_strided_slice %add3A_245 {offsets = [0, 768], sizes = [1, 768], strides = [1, 1]} : vector<1x2304xf32> to vector<1x768xf32>
      %add3A_257 = arith.addf %slice3A_255, %slice3A_256 : vector<1x768xf32>
      %logistic3A_258 = arith.negf %add3A_257 : vector<1x768xf32>
      %logistic3A_259 = math.exp %logistic3A_258 : vector<1x768xf32>
      %logistic3A_260 = arith.constant 1.000000e+00 : f32
      %logistic3A_261 = vector.broadcast %logistic3A_260 : f32 to vector<1x768xf32>
      %logistic3A_262 = arith.addf %logistic3A_261, %logistic3A_259 : vector<1x768xf32>
      %logistic3A_263 = arith.divf %logistic3A_261, %logistic3A_262 : vector<1x768xf32>
      %slice3A_264 = vector.extract_strided_slice %slice3A_239 {offsets = [0, 1536], sizes = [1, 768], strides = [1, 1]} : vector<1x2304xf32> to vector<1x768xf32>
      %slice3A_265 = vector.extract_strided_slice %add3A_245 {offsets = [0, 1536], sizes = [1, 768], strides = [1, 1]} : vector<1x2304xf32> to vector<1x768xf32>
      %mul3A_266 = arith.mulf %logistic3A_254, %slice3A_265 : vector<1x768xf32>
      %add3A_267 = arith.addf %slice3A_264, %mul3A_266 : vector<1x768xf32>
      %tanh3A_268 = math.tanh %add3A_267 : vector<1x768xf32>
      %sub3A_269 = arith.constant 1.000000e+00 : f32
      %sub3A_270 = vector.broadcast %sub3A_269 : f32 to vector<1x768xf32>
      %sub3A_271 = arith.subf %sub3A_270, %logistic3A_263 : vector<1x768xf32>
      %mul3A_272 = arith.mulf %sub3A_271, %tanh3A_268 : vector<1x768xf32>
      %mul3A_273 = arith.mulf %logistic3A_263, %add3A_237 : vector<1x768xf32>
      %add3A_274 = arith.addf %mul3A_272, %mul3A_273 : vector<1x768xf32>
      %convert_element_type3A_275 = arith.truncf %add3A_274 : vector<1x768xf32> to vector<1x768xbf16>
      %slice3A_276 = vector.extract_strided_slice %get3A_22 {offsets = [7, 0], sizes = [1, 2304], strides = [1, 1]} : vector<8x2304xf32> to vector<1x2304xf32>
      %get3A_277 = arith.constant 0 : index
      %get3A_278 = arith.constant 0 : index
      %get3A_279 = vector.load %arg1[%get3A_277, %get3A_278] : memref<768x2304xbf16, #tpu.memory_space<vmem>>, vector<768x2304xbf16>
      %dot_general3A_280 = arith.constant dense<0.000000e+00> : vector<1x2304xf32>
      %dot_general3A_281 = tpu.matmul %convert_element_type3A_275, %get3A_279, %dot_general3A_280 {dimension_numbers = #tpu.dot_dimension_numbers<[1], [0], [0], [1], [0, 0, 1, 1], [], []>, transpose_lhs_hint = false} : vector<1x768xbf16>, vector<768x2304xbf16>, vector<1x2304xf32> -> vector<1x2304xf32>
      %add3A_282 = arith.addf %dot_general3A_281, %get3A_1 : vector<1x2304xf32>
      %slice3A_283 = vector.extract_strided_slice %slice3A_276 {offsets = [0, 0], sizes = [1, 768], strides = [1, 1]} : vector<1x2304xf32> to vector<1x768xf32>
      %slice3A_284 = vector.extract_strided_slice %add3A_282 {offsets = [0, 0], sizes = [1, 768], strides = [1, 1]} : vector<1x2304xf32> to vector<1x768xf32>
      %add3A_285 = arith.addf %slice3A_283, %slice3A_284 : vector<1x768xf32>
      %logistic3A_286 = arith.negf %add3A_285 : vector<1x768xf32>
      %logistic3A_287 = math.exp %logistic3A_286 : vector<1x768xf32>
      %logistic3A_288 = arith.constant 1.000000e+00 : f32
      %logistic3A_289 = vector.broadcast %logistic3A_288 : f32 to vector<1x768xf32>
      %logistic3A_290 = arith.addf %logistic3A_289, %logistic3A_287 : vector<1x768xf32>
      %logistic3A_291 = arith.divf %logistic3A_289, %logistic3A_290 : vector<1x768xf32>
      %slice3A_292 = vector.extract_strided_slice %slice3A_276 {offsets = [0, 768], sizes = [1, 768], strides = [1, 1]} : vector<1x2304xf32> to vector<1x768xf32>
      %slice3A_293 = vector.extract_strided_slice %add3A_282 {offsets = [0, 768], sizes = [1, 768], strides = [1, 1]} : vector<1x2304xf32> to vector<1x768xf32>
      %add3A_294 = arith.addf %slice3A_292, %slice3A_293 : vector<1x768xf32>
      %logistic3A_295 = arith.negf %add3A_294 : vector<1x768xf32>
      %logistic3A_296 = math.exp %logistic3A_295 : vector<1x768xf32>
      %logistic3A_297 = arith.constant 1.000000e+00 : f32
      %logistic3A_298 = vector.broadcast %logistic3A_297 : f32 to vector<1x768xf32>
      %logistic3A_299 = arith.addf %logistic3A_298, %logistic3A_296 : vector<1x768xf32>
      %logistic3A_300 = arith.divf %logistic3A_298, %logistic3A_299 : vector<1x768xf32>
      %slice3A_301 = vector.extract_strided_slice %slice3A_276 {offsets = [0, 1536], sizes = [1, 768], strides = [1, 1]} : vector<1x2304xf32> to vector<1x768xf32>
      %slice3A_302 = vector.extract_strided_slice %add3A_282 {offsets = [0, 1536], sizes = [1, 768], strides = [1, 1]} : vector<1x2304xf32> to vector<1x768xf32>
      %mul3A_303 = arith.mulf %logistic3A_291, %slice3A_302 : vector<1x768xf32>
      %add3A_304 = arith.addf %slice3A_301, %mul3A_303 : vector<1x768xf32>
      %tanh3A_305 = math.tanh %add3A_304 : vector<1x768xf32>
      %sub3A_306 = arith.constant 1.000000e+00 : f32
      %sub3A_307 = vector.broadcast %sub3A_306 : f32 to vector<1x768xf32>
      %sub3A_308 = arith.subf %sub3A_307, %logistic3A_300 : vector<1x768xf32>
      %mul3A_309 = arith.mulf %sub3A_308, %tanh3A_305 : vector<1x768xf32>
      %mul3A_310 = arith.mulf %logistic3A_300, %add3A_274 : vector<1x768xf32>
      %add3A_311 = arith.addf %mul3A_309, %mul3A_310 : vector<1x768xf32>
      %concatenate3A = tpu.concatenate %add3A_52, %add3A_89, %add3A_126, %add3A_163, %add3A_200, %add3A_237, %add3A_274, %add3A_311 in 0 : vector<1x768xf32>, vector<1x768xf32>, vector<1x768xf32>, vector<1x768xf32>, vector<1x768xf32>, vector<1x768xf32>, vector<1x768xf32>, vector<1x768xf32> -> vector<8x768xf32>
      %swap3A_312 = arith.index_cast %multiple_of3A : i32 to index
      %swap3A_313 = arith.constant 0 : index
      %swap3A_314 = vector.load %arg9[%swap3A_312, %swap3A_313] : memref<2048x768xf32, #tpu.memory_space<vmem>>, vector<8x768xf32>
      tpu.vector_store %arg9[%swap3A_312, %swap3A_313], %concatenate3A {strides = array<i32>} : memref<2048x768xf32, #tpu.memory_space<vmem>>, vector<8x768xf32>,
      scf.yield %add3A_311 : vector<1x768xf32>
    }
    %scan3A_9 = arith.constant 256 : i32
    %swap3A = arith.constant 0 : index
    %swap3A_10 = arith.constant 0 : index
    %swap3A_11 = vector.load %arg6[%swap3A, %swap3A_10] : memref<1x768xf32, #tpu.memory_space<vmem>>, vector<1x768xf32>
    tpu.vector_store %arg6[%swap3A, %swap3A_10], %scan3A_8 {strides = array<i32>} : memref<1x768xf32, #tpu.memory_space<vmem>>, vector<1x768xf32>,
    %scan3A_12 = arith.constant 0 : i32
    %scan3A_13 = arith.constant 8 : i32
    %scan3A_14 = arith.addi %scan3A_12, %scan3A_13 : i32
    %scan3A_15 = arith.constant 1 : i32
    scf.for %scan3A_17 = %scan3A_12 to %scan3A_14 step %scan3A_15  : i32 {
      %mul3A = arith.constant 256 : i32
      %mul3A_18 = arith.muli %scan3A_17, %mul3A : i32
      %multiple_of3A = tpu.assume_multiple %mul3A_18, 256 : i32
      %get3A_19 = arith.index_cast %multiple_of3A : i32 to index
      %get3A_20 = arith.constant 0 : index
      %get3A_21 = vector.load %arg9[%get3A_19, %get3A_20] : memref<2048x768xf32, #tpu.memory_space<vmem>>, vector<256x768xf32>
      %convert_element_type3A = arith.truncf %get3A_21 : vector<256x768xf32> to vector<256x768xbf16>
      %get3A_22 = arith.constant 0 : index
      %get3A_23 = arith.constant 0 : index
      %get3A_24 = vector.load %arg4[%get3A_22, %get3A_23] : memref<8192x768xbf16, #tpu.memory_space<vmem>>, vector<8192x768xbf16>
      %dot_general3A = arith.constant dense<0.000000e+00> : vector<256x8192xf32>
      %dot_general3A_25 = tpu.matmul %convert_element_type3A, %get3A_24, %dot_general3A {dimension_numbers = #tpu.dot_dimension_numbers<[1], [1], [0], [0], [0, 0, 1, 0], [], []>, transpose_lhs_hint = false} : vector<256x768xbf16>, vector<8192x768xbf16>, vector<256x8192xf32> -> vector<256x8192xf32>
      %get3A_26 = arith.constant 0 : index
      %get3A_27 = arith.constant 0 : index
      %get3A_28 = vector.load %arg5[%get3A_26, %get3A_27] : memref<1x8192xf32, #tpu.memory_space<vmem>>, vector<1x8192xf32>
      %add3A = vector.broadcast %get3A_28 : vector<1x8192xf32> to vector<256x8192xf32>
      %add3A_29 = arith.addf %dot_general3A_25, %add3A : vector<256x8192xf32>
      %reduce_max3A = arith.constant dense<0xFF800000> : vector<256xf32>
      %reduce_max3A_30 = vector.multi_reduction <maximumf>, %add3A_29, %reduce_max3A [1] : vector<256x8192xf32> to vector<256xf32>
      %broadcast_in_dim3A = vector.shape_cast %reduce_max3A_30 : vector<256xf32> to vector<1x256xf32>
      %swap3A_31 = arith.index_cast %scan3A_17 : i32 to index
      %swap3A_32 = arith.constant 0 : index
      %swap3A_33 = arith.constant 0 : index
      %swap3A_34 = vector.load %arg8[%swap3A_31, %swap3A_32, %swap3A_33] : memref<8x1x256xf32, #tpu.memory_space<vmem>>, vector<1x1x256xf32>
      %swap3A_35 = vector.shape_cast %swap3A_34 : vector<1x1x256xf32> to vector<1x256xf32>
      %swap3A_36 = vector.shape_cast %broadcast_in_dim3A : vector<1x256xf32> to vector<1x1x256xf32>
      tpu.vector_store %arg8[%swap3A_31, %swap3A_32, %swap3A_33], %swap3A_36 {strides = array<i32>} : memref<8x1x256xf32, #tpu.memory_space<vmem>>, vector<1x1x256xf32>,
      %argmax3A = tpu.reduce_index %add3A_29 {axis = 1 : i32, kind = #tpu.reduction_kind<arg_max>} : vector<256x8192xf32> -> vector<256xi32>
      %broadcast_in_dim3A_37 = vector.shape_cast %argmax3A : vector<256xi32> to vector<1x256xi32>
      %swap3A_38 = arith.index_cast %scan3A_17 : i32 to index
      %swap3A_39 = arith.constant 0 : index
      %swap3A_40 = arith.constant 0 : index
      %swap3A_41 = vector.load %arg7[%swap3A_38, %swap3A_39, %swap3A_40] : memref<8x1x256xi32, #tpu.memory_space<vmem>>, vector<1x1x256xi32>
      %swap3A_42 = vector.shape_cast %swap3A_41 : vector<1x1x256xi32> to vector<1x256xi32>
      %swap3A_43 = vector.shape_cast %broadcast_in_dim3A_37 : vector<1x256xi32> to vector<1x1x256xi32>
      tpu.vector_store %arg7[%swap3A_38, %swap3A_39, %swap3A_40], %swap3A_43 {strides = array<i32>} : memref<8x1x256xi32, #tpu.memory_space<vmem>>, vector<1x1x256xi32>,
    }
    %scan3A_16 = arith.constant 8 : i32
    return
  }
}

module attributes {stable_mosaic.version = 14 : i64} {
  func.func @_finish_body(%arg0: i32, %arg1: memref<256x768xf32, #tpu.memory_space<vmem>>, %arg2: memref<256x1xf32, #tpu.memory_space<vmem>>, %arg3: memref<1x768xf32, #tpu.memory_space<vmem>>, %arg4: memref<256x768xf32, #tpu.memory_space<vmem>>) attributes {dimension_semantics = [#tpu.dimension_semantics<arbitrary>], iteration_bounds = array<i64: 8>, scalar_prefetch = 0 : i64, scratch_operands = 0 : i64, tpu.core_type = #tpu.core_type<tc>, window_params = [{transform_indices = @transform_0, window_bounds = array<i64: 256, 768>}, {transform_indices = @transform_1, window_bounds = array<i64: 256, 1>}, {pipeline_mode = #tpu.pipeline_mode<synchronous>, transform_indices = @transform_2, window_bounds = array<i64: 1, 768>}, {transform_indices = @transform_3, window_bounds = array<i64: 256, 768>}]} {
    %get3A = arith.constant 0 : index
    %get3A_0 = arith.constant 0 : index
    %get3A_1 = vector.load %arg2[%get3A, %get3A_0] : memref<256x1xf32, #tpu.memory_space<vmem>>, vector<256x1xf32>
    %get3A_2 = arith.constant 0 : index
    %get3A_3 = arith.constant 0 : index
    %get3A_4 = vector.load %arg1[%get3A_2, %get3A_3] : memref<256x768xf32, #tpu.memory_space<vmem>>, vector<256x768xf32>
    %abs3A = math.absf %get3A_1 : vector<256x1xf32>
    %div3A = arith.divf %get3A_1, %abs3A : vector<256x1xf32>
    %mul3A = vector.broadcast %div3A : vector<256x1xf32> to vector<256x768xf32>
    %mul3A_5 = arith.mulf %get3A_4, %mul3A : vector<256x768xf32>
    %get3A_6 = arith.constant 0 : index
    %get3A_7 = arith.constant 0 : index
    %get3A_8 = vector.load %arg3[%get3A_6, %get3A_7] : memref<1x768xf32, #tpu.memory_space<vmem>>, vector<1x768xf32>
    %add3A = vector.broadcast %get3A_8 : vector<1x768xf32> to vector<256x768xf32>
    %add3A_9 = arith.addf %mul3A_5, %add3A : vector<256x768xf32>
    %reduce_max3A = arith.constant dense<0xFF800000> : vector<256xf32>
    %reduce_max3A_10 = vector.multi_reduction <maximumf>, %add3A_9, %reduce_max3A [1] : vector<256x768xf32> to vector<256xf32>
    %broadcast_in_dim3A = vector.shape_cast %reduce_max3A_10 : vector<256xf32> to vector<256x1xf32>
    %sub3A = vector.broadcast %broadcast_in_dim3A : vector<256x1xf32> to vector<256x768xf32>
    %sub3A_11 = arith.subf %add3A_9, %sub3A : vector<256x768xf32>
    %exp3A = math.exp %sub3A_11 : vector<256x768xf32>
    %reduce_sum3A = arith.constant dense<0.000000e+00> : vector<256xf32>
    %reduce_sum3A_12 = vector.multi_reduction <add>, %exp3A, %reduce_sum3A [1] : vector<256x768xf32> to vector<256xf32>
    %broadcast_in_dim3A_13 = vector.shape_cast %reduce_sum3A_12 : vector<256xf32> to vector<256x1xf32>
    %log3A = math.log %broadcast_in_dim3A_13 : vector<256x1xf32>
    %add3A_14 = arith.addf %log3A, %broadcast_in_dim3A : vector<256x1xf32>
    %sub3A_15 = vector.broadcast %add3A_14 : vector<256x1xf32> to vector<256x768xf32>
    %sub3A_16 = arith.subf %add3A_9, %sub3A_15 : vector<256x768xf32>
    %swap3A = arith.constant 0 : index
    %swap3A_17 = arith.constant 0 : index
    %swap3A_18 = vector.load %arg4[%swap3A, %swap3A_17] : memref<256x768xf32, #tpu.memory_space<vmem>>, vector<256x768xf32>
    tpu.vector_store %arg4[%swap3A, %swap3A_17], %sub3A_16 {strides = array<i32>} : memref<256x768xf32, #tpu.memory_space<vmem>>, vector<256x768xf32>,
    return
  }
  func.func @transform_0(%arg0: i32) -> (i32, i32) {
    %c0_i32 = arith.constant 0 : i32
    %c0_i32_0 = arith.constant 0 : i32
    return %arg0, %c0_i32 : i32, i32
  }
  func.func @transform_1(%arg0: i32) -> (i32, i32) {
    %c0_i32 = arith.constant 0 : i32
    %c0_i32_0 = arith.constant 0 : i32
    return %arg0, %c0_i32 : i32, i32
  }
  func.func @transform_2(%arg0: i32) -> (i32, i32) {
    %c0_i32 = arith.constant 0 : i32
    %c0_i32_0 = arith.constant 0 : i32
    %c0_i32_1 = arith.constant 0 : i32
    return %c0_i32, %c0_i32_0 : i32, i32
  }
  func.func @transform_3(%arg0: i32) -> (i32, i32) {
    %c0_i32 = arith.constant 0 : i32
    %c0_i32_0 = arith.constant 0 : i32
    return %arg0, %c0_i32 : i32, i32
  }
}

</mosaic_0001>

<sc_bundles>
// kernel: kernel.6.cloned.1.call-start
scs
__scs_entry_jumppad:
0x0: {  	(pc) =	sbr.rel $0x88, $3  }
0x1: {  	(tag) =	ssettag $0x0;
	lr =	simm.s32 $0x1  }
0x2: {  	[smem:$0x3F97] =	sst lr;
	_ =	strace $0xD0000000  }
0x3: {  	_ = 	snop  }
0x4: {  	_ = 	snop  }
0x5: {  	_ = 	snop  }
0x6: {  	_ = 	snop  }
0x7: {  	_ = 	snop  }
__scs_overlays_trampoline_lowered:
0x8: {  	[smem:$0x3FA6] =	sst s0  }
0x9: {  	[smem:$0x3FA7] =	sst s1  }
0xa: {  	[smem:$0x3FA8] =	sst s2  }
0xb: {  	[smem:$0x3FA9] =	sst s3  }
0xc: {  	[smem:$0x3FAA] =	sst s4  }
0xd: {  	[smem:$0x3FAB] =	sst s5  }
0xe: {  	[smem:$0x3FAC] =	sst s6  }
0xf: {  	[smem:$0x3FAD] =	sst s7  }
0x10: {  	[smem:$0x3FAE] =	sst s8  }
0x11: {  	[smem:$0x3FAF] =	sst s9;
	s0 =	simm.s32 @!p0 $0x0  }
0x12: {  	s1 =	sld [smem:$0x3F95];
	s0 =	simm.s32 @p0 $0x1  }
0x13: {  	[smem:$0x3FB0] =	sst s0;
	s0 =	simm.s32 @!p1 $0x0  }
0x14: {  	s2 =	sld [smem:$0x3F94];
	s0 =	simm.s32 @p1 $0x1  }
0x15: {  	[smem:$0x3FB1] =	sst s0;
	s0 =	simm.s32 @!p2 $0x0  }
0x16: {  	s3 =	sld [smem:$0x3FDB];
	s0 =	simm.s32 @p2 $0x1  }
0x17: {  	s4 =	simm.s32 $0x1BF5;
	[smem:$0x3FB3] =	sst s0  }
0x18: {  	s0 =	sld [smem:$0x3F96];
	_ =	swait.ge [sflag:s4], $0x0  }
0x19: {  	s7 =	sld [smem:$0x3F97]  }
0x1a: {  	s8 =	sadd.s32 $0xFFFFE003, lr  }
0x1b: {  	s9 =	sadd.s32 $0xFFFFFEF7, lr;
	s5 =	simm.s32 $0xFFFFFFFF;
	p2 =	slt.u32 s8, $0xFFFFF086  }
0x1c: {  	p1 =	slt.u32 s9, $0xF7A;
	s5 =	simm.s32 @!p2 $0x0  }
0x1d: {  	s5 =	simm.s32 @p1 $0x1;
	p0 =	seq.s32 s7, s2  }
0x1e: {  	s7 =	smul.u32 @!p0 $0xF7A, s2;
	p2 =	seq.s32 @!p0 s5, $0x0  }
0x1f: {  	s9 =	smul.u32 $0xF7A, s1;
	s8 =	simm.s32 @!p0 $0x1BF5;
	p2 =	por !p2, p0  }
0x20: {  	[sflag:s8] =	ssyncset.s32 @!p0 $0xFFFFF086;
	s6 =	sadd.s32 @!p0 s3, s7;
	s7 =	simm.s32 @!p0 $0x108  }
0x21: {  	s3 =	sadd.s32 s3, s9;
	s6 =	sadd.s32 @!p0 $0x88, s6;
	s7 =	simm.s32 @p2 $0x1082  }
0x22: {  	[simem:s7], [sflag:s8] =	dma.local @!p0 [hbm:s6], $0xF7A  }
0x23: {  	s9 =	sor.u32 $0xD0000000, s2;
	s6 =	simm.s32 $0x108;
	_ =	swait.ge @!p0 [sflag:s8], $0x0  }
0x24: {  	s3 =	sadd.s32 $0x88, s3;
	s6 =	simm.s32 @!p1 $0x1082;
	[sflag:s4] =	ssyncset.s32 $0xFFFFF086  }
0x25: {  	[simem:s6], [sflag:s4] =	dma.local [hbm:s3], $0xF7A  }
0x26: {  	[smem:$0x3F97] =	sst s1;
	(tag) =	ssettag s2;
	_ =	strace s9  }
0x27: {  	s1 =	sld [smem:$0x3FA7]  }
0x28: {  	s2 =	sld [smem:$0x3FA8]  }
0x29: {  	s4 =	sld [smem:$0x3FAA]  }
0x2a: {  	p0 =	seq.s32 s5, $0x0;
	s5 =	sld [smem:$0x3FAB]  }
0x2b: {  	s6 =	sld [smem:$0x3FAC]  }
0x2c: {  	s7 =	sld [smem:$0x3FAD]  }
0x2d: {  	s3 =	simm.s32 $0x108;
	s8 =	sld [smem:$0x3FAE]  }
0x2e: {  	s3 =	simm.s32 @!p0 $0x1082;
	s9 =	sld [smem:$0x3FAF]  }
0x2f: {  	lr =	sadd.s32 s0, s3;
	s0 =	sld [smem:$0x3FA6]  }
0x30: {  	s3 =	sld [smem:$0x3FA9]  }
0x31: {  	[smem:$0x3FB2] =	sst s10  }
0x32: {  	s10 =	sld [smem:$0x3FB0];
	_ =	sdelay $0x3  }
0x33: {  	p0 =	seq.s32 s10, $0x1;
	s10 =	sld [smem:$0x3FB2];
	_ =	sdelay $0x3  }
0x34: {  	[smem:$0x3FB2] =	sst s10  }
0x35: {  	s10 =	sld [smem:$0x3FB1];
	_ =	sdelay $0x3  }
0x36: {  	p1 =	seq.s32 s10, $0x1;
	s10 =	sld [smem:$0x3FB2];
	_ =	sdelay $0x3  }
0x37: {  	[smem:$0x3FB2] =	sst s10  }
0x38: {  	s10 =	sld [smem:$0x3FB3]  }
0x39: {  	_ = 	snop;
	(pc) =	sbr.ind lr, $3  }
0x3a: {  	_ = 	snop  }
0x3b: {  	_ = 	snop  }
0x3c: {  	p2 =	seq.s32 s10, $0x1;
	s10 =	sld [smem:$0x3FB2]  }
0x3d: {  	_ =	shalt  }
0x3e: {  	_ =	shalt  }
0x3f: {  	_ =	shalt  }
0x40: {  	_ =	shalt  }
0x41: {  	_ =	shalt  }
0x42: {  	_ =	shalt  }
0x43: {  	_ =	shalt  }
0x44: {  	_ =	shalt  }
0x45: {  	_ =	shalt  }
0x46: {  	_ =	shalt  }
0x47: {  	_ =	shalt  }
0x48: {  	_ =	shalt  }
0x49: {  	_ =	shalt  }
0x4a: {  	_ =	shalt  }
0x4b: {  	_ =	shalt  }
0x4c: {  	_ =	shalt  }
0x4d: {  	_ =	shalt  }
0x4e: {  	_ =	shalt  }
0x4f: {  	_ =	shalt  }
0x50: {  	_ =	shalt  }
0x51: {  	_ =	shalt  }
0x52: {  	_ =	shalt  }
0x53: {  	_ =	shalt  }
0x54: {  	_ =	shalt  }
0x55: {  	_ =	shalt  }
0x56: {  	_ =	shalt  }
0x57: {  	_ =	shalt  }
0x58: {  	_ =	shalt  }
0x59: {  	_ =	shalt  }
0x5a: {  	_ =	shalt  }
0x5b: {  	_ =	shalt  }
0x5c: {  	_ =	shalt  }
0x5d: {  	_ =	shalt  }
0x5e: {  	_ =	shalt  }
0x5f: {  	_ =	shalt  }
0x60: {  	_ =	shalt  }
0x61: {  	_ =	shalt  }
0x62: {  	_ =	shalt  }
0x63: {  	_ =	shalt  }
0x64: {  	_ =	shalt  }
0x65: {  	_ =	shalt  }
0x66: {  	_ =	shalt  }
0x67: {  	_ =	shalt  }
0x68: {  	_ =	shalt  }
0x69: {  	_ =	shalt  }
0x6a: {  	_ =	shalt  }
0x6b: {  	_ =	shalt  }
0x6c: {  	_ =	shalt  }
0x6d: {  	_ =	shalt  }
0x6e: {  	_ =	shalt  }
0x6f: {  	_ =	shalt  }
0x70: {  	_ =	shalt  }
0x71: {  	_ =	shalt  }
0x72: {  	_ =	shalt  }
0x73: {  	_ =	shalt  }
0x74: {  	_ =	shalt  }
0x75: {  	_ =	shalt  }
0x76: {  	_ =	shalt  }
0x77: {  	_ =	shalt  }
0x78: {  	_ =	shalt  }
0x79: {  	_ =	shalt  }
0x7a: {  	_ =	shalt  }
0x7b: {  	_ =	shalt  }
0x7c: {  	_ =	shalt  }
0x7d: {  	_ =	shalt  }
0x7e: {  	_ =	shalt  }
0x7f: {  	_ =	shalt  }
0x80: {  	_ =	shalt  }
0x81: {  	_ =	shalt  }
0x82: {  	_ =	shalt  }
0x83: {  	_ =	shalt  }
0x84: {  	_ =	shalt  }
0x85: {  	_ =	shalt  }
0x86: {  	_ =	shalt  }
0x87: {  	_ =	shalt  }
.Lfunc_end0:
.L_simem_size_0:
called_computation_lowered:
.L_overlay_start_0:
0x88: {  	s2 =	sld [smem:$0x3FD9]  }
0x89: {  	s3 =	sld [smem:$0x3FFE];
	_ =	sdelay $0x1  }
0x8a: {  	s1 =	srdreg.scid  }
0x8b: {  	s0 =	sand.u32 $0x1, s1  }
0x8c: {  	s14 =	sshll.u32 s0, $0xA;
	s2 =	sadd.s32 s3, s2  }
0x8d: {  	s2 =	sadd.s32 s2, s14  }
0x8e: {  	[smem:$0x3FBE] =	sst s2  }
0x8f: {  	_ = 	snop  }
0x90: {  	s2 =	sld [smem:$0x3FD0];
	_ =	sdelay $0x2  }
0x91: {  	s15 =	simm.s32 $0xA;
	s4 =	simm.s32 $0x10  }
0x92: {  	[smem:s4], [sflag:s15] =	dma.local [hbm:s2], $0x1  }
0x93: {  	_ =	swait.eq [sflag:s15], $0x1  }
0x94: {  	[sflag:s15] =	ssyncset.done $0x0  }
0x95: {  	[sflag:s15] =	ssyncadd.s32 $0xFFFFFFFF  }
0x96: {  	s16 =	sld [smem:$0x10];
	(tm) =	ssettm $0x1  }
0x97: {  	s17 =	sld [smem:$0x3FFB];
	_ =	sdelay $0x3  }
0x98: {  	_ =	strace s17  }
0x99: {  	s3 =	sld [smem:$0x3FFC];
	_ =	sdelay $0x3  }
0x9a: {  	_ =	strace s3  }
0x9b: {  	s3 =	sld [smem:$0x3FFD];
	_ =	sdelay $0x3  }
0x9c: {  	_ =	strace s3  }
0x9d: {  	_ =	strace $0x8FFFFFFF  }
0x9e: {  	s18 =	sld [smem:$0x3FDB];
	_ =	sdelay $0x1  }
0x9f: {  	s19 =	simm.s32 $_scs_section_size  }
0xa0: {  	s5 =	simm.s32 $_size__tile_overlayer_lowered;
	s6 =	simm.s32 $_tile_overlayer_lowered  }
0xa1: {  	s22 =	simm.s32 $0x1BFF;
	s21 =	sshll.u32 s6, $0x1;
	s3 =	sadd.s32 s19, s18  }
0xa2: {  	s7 =	simm.s32 $0x0;
	s20 =	sshll.u32 s5, $0x1;
	s5 =	sadd.s32 s21, s3  }
0xa3: {  	[timem:s7], [sflag:s22] =	dma.local [hbm:s5], s20  }
0xa4: {  	_ =	swait.ge [sflag:s22], s20  }
0xa5: {  	s4 =	ssub.s32 $0x0, s20;
	[sflag:s22] =	ssyncset.done $0x0  }
0xa6: {  	[sflag:s22] =	ssyncadd.s32 s4;
	_ =	sdelay $0x1  }
0xa7: {  	s23 =	simm.s32 $0x1B8B  }
0xa8: {  	_ =	swait.ge [sflag:s23], $0x1  }
0xa9: {  	[sflag:s23] =	ssyncset.done $0x0  }
0xaa: {  	s25 =	simm.s32 $0x1B8E;
	s24 =	sld [smem:$0x3FFE];
	[sflag:s23] =	ssyncadd.s32 $0xFFFFFFFF  }
0xab: {  	s26 =	simm.s32 $execute0_lowered;
	[smem:$0x3FD2] =	sst s25  }
0xac: {  	s5 =	sshll.u32 s26, $0x1;
	_ =	strace $0x80000046;
	[dreg:$0x1] =	wrdreg $0xFFFFFFFF  }
0xad: {  	s28 =	simm.s32 $_size_execute0_lowered;
	s3 =	sadd.s32 s3, s5;
	[dreg:$0x0] =	wrdreg $0x0  }
0xae: {  	s5 =	sshll.u32 s28, $0x1;
	[dreg:$0x2] =	wrdreg s3  }
0xaf: {  	[dreg:$0x3] =	wrdreg s5  }
0xb0: {  	[dreg:$0x4] =	wrdreg $0xC0  }
0xb1: {  	_ =	task [dreg:s7], $0x5FFFF  }
0xb2: {  	[dreg:$0x1] =	wrdreg $0xFFFFFFFF  }
0xb3: {  	[dreg:$0x0] =	wrdreg $0x60  }
0xb4: {  	[dreg:$0x2] =	wrdreg s24  }
0xb5: {  	[dreg:$0x3] =	wrdreg s16  }
0xb6: {  	[dreg:$0x4] =	wrdreg $0x9  }
0xb7: {  	_ =	task.clear_ibuf [dreg:s7], $0x5FFFF;
	_ =	strace $0x90000046  }
0xb8: {  	s29 =	simm.s32 $0x9;
	_ =	strace $0x80000048  }
0xb9: {  	_ =	swait.ge [sflag:s29], $0x1  }
0xba: {  	[sflag:s29] =	ssyncadd.s32 $0xFFFFFFFF  }
0xbb: {  	_ =	strace $0x90000048  }
0xbc: {  	_ =	sfence  }
0xbd: {  	s30 =	sld [smem:$0x0];
	_ =	sdelay $0x2  }
0xbe: {  	s31 =	sshll.u32 s1, $0xD;
	s1 =	sshrl.u32 s1, $0x2  }
0xbf: {  	s3 =	sand.u32 $0x4000, s31;
	s1 =	sadd.s32 s1, s30  }
0xc0: {  	s0 =	sor.u32 s3, s0;
	s1 =	sshll.u32 s1, $0x11  }
0xc1: {  	s0 =	sor.u32 s1, s0  }
0xc2: {  	s0 =	sadd.s32 $0x8F2B, s0  }
0xc3: {  	[sflag:s0] =	ssyncadd.remote.s32 $0x1  }
0xc4: {  	_ =	sfence.sel $0xFFFF  }
0xc5: {  	[dreg:$0x0] =	wrdreg $0xFFFFFFFF;
	(pc) =	sbr.abs _section_cstart, $3  }
0xc6: {  	[dreg:$0x1] =	wrdreg $0xFFFFFFFF  }
0xc7: {  	_ =	task.clear_ibuf [dreg:s7], $0x2FFFF;
	_ =	strace $0x9FFFFFFF  }
0xc8: {  	(tm) =	ssettm $0x7FFFFFFF  }
0xc9: {  	_ =	shalt  }
tec
execute0_lowered:
.L_overlay_start_1:
0x0: {  	(tag) =	ssettag $0x1  }
0x1: {  	s0 =	rddreg [dreg:$0x0]  }
0x2: {  	s5 =	rddreg [dreg:$0x1];
	s3 =	srdreg.scid  }
0x3: {  	s2 =	simm.s32 $0x0;
	s1 =	stileid.u32;
	s26 =	simm.s32 $0x880  }
0x4: {  	s10 =	simm.s32 $0x1880;
	s11 =	simm.s32 $0x2080;
	s12 =	simm.s32 $0x2880  }
0x5: {  	s13 =	simm.s32 $0x3080;
	s14 =	simm.s32 $0x3880;
	s15 =	simm.s32 $0x4080  }
0x6: {  	s16 =	simm.s32 $0x4880;
	s17 =	simm.s32 $0x5080;
	s18 =	simm.s32 $0x5880  }
0x7: {  	s19 =	simm.s32 $0x6080;
	s20 =	simm.s32 $0x6880;
	s21 =	simm.s32 $0x7080  }
0x8: {  	s22 =	simm.s32 $0x7880;
	s28 =	simm.s32 $0xA080;
	s29 =	simm.s32 $0xA880  }
0x9: {  	s30 =	simm.s32 $0xB080;
	s31 =	simm.s32 $0xB880;
	s3 =	sand.u32 $0x1, s3  }
0xa: {  	[smem:$0x7FF] =	sst s2;
	s4 =	sshll.u32 s1, $0x4;
	s6 =	sshll.u32 s3, $0x3  }
0xb: {  	_ =	strace $0x80000047;
	s23 =	ssub.s32 $0x2, s3;
	s3 =	sadd.s32 $0x1C00, s0  }
0xc: {  	[dreg:$0x5] =	wrdreg s26;
	s26 =	simm.s32 $0x9880;
	s4 =	sor.u32 s6, s4  }
0xd: {  	s8 =	sshrl.u32 s23, $0x1;
	s7 =	sadd.s32 s4, s0;
	s9 =	smul.u32 $0x300, s4  }
0xe: {  	s6 =	ssub.s32 s23, s8;
	s4 =	sadd.s32 $0x1D00, s0;
	s8 =	simm.s32 $0x80  }
0xf: {  	s23 =	simm.s32 $0x8080;
	s24 =	sadd.s32 $0xC1C00, s7;
	s6 =	smax.u32 s6, $0x1  }
0x10: {  	v2 =	vlaneseq.u32;
	s7 =	simm.s32 $0x2;
	[dreg:$0x3] =	wrdreg s24;
	s25 =	sadd.s32 s5, s9  }
0x11: {  	vm0 =	vmmov $0xffff;
	v1 =	vshrl.u32 v2, $0x3;
	s5 =	sadd.s32 $0x1E00, s0;
	s9 =	simm.s32 $0x1080;
	s24 =	simm.s32 $0x8880  }
0x12: {  	v0 =	vand.u32 $0x7, v2;
	v2 =	vor.u32 $0x8, v2;
	v1 =	vmul.u32 $0x8, v1;
	s0 =	simm.s32 $0x1;
	[dreg:$0x4] =	wrdreg s25;
	s25 =	simm.s32 $0x9080  }
.LBB2_1:
0x13: {  	s1 =	rddreg [dreg:$0x3]  }
0x14: {  	[tilespmem:s2], [sflag:$0x2] =	stream.linear.gather [hbm4b:s1+s2], $0x40, $0x38;
	[tilespmem:$0xC080] =	vst v63  }
0x15: {  	_ =	swait.ge [sflag:s7], $0x40  }
0x16: {  	[sflag:s7] =	ssyncset.done $0x0  }
0x17: {  	[sflag:s7] =	ssyncadd.s32 $0xFFFFFFC0  }
0x18: {  	v3 =	vld [tilespmem:$0x0];
	_ =	sdelay $0x4  }
0x19: {  	v4 =	vshrl.u32 v3, $0x3  }
0x1a: {  	v4 =	vmul.u32 $0x30, v4  }
0x1b: {  	v3 =	vand.u32 $0x7, v3  }
0x1c: {  	v3 =	vor.u32 v3, v4  }
0x1d: {  	v4 =	vperm.xlane v3, v0;
	_ =	sdelay $0x1  }
0x1e: {  	v4 =	vadd.s32 v1, v4;
	_ =	sdelay $0x3  }
0x1f: {  	v3 =	vperm.xlane v3, v2  }
0x20: {  	[tilespmem:s8], [sflag:$0x1] =	stream.indirect_vreg.gather [hbm4b:s3+s2], $0x80, v4, vm0, $0xb8;
	[tilespmem:$0xC080] =	vst v63  }
0x21: {  	s1 =	rddreg [dreg:$0x5];
	v3 =	vadd.s32 v1, v3  }
0x22: {  	[tilespmem:s1], [sflag:$0x1] =	stream.indirect_vreg.gather [hbm4b:s4+s2], $0x80, v4, vm0, $0xb8;
	[tilespmem:$0xC080] =	vst v63  }
0x23: {  	_ = 	snop  }
0x24: {  	[tilespmem:s9], [sflag:$0x1] =	stream.indirect_vreg.gather [hbm4b:s5+s2], $0x80, v4, vm0, $0xb8;
	[tilespmem:$0xC080] =	vst v63  }
0x25: {  	_ = 	snop  }
0x26: {  	[tilespmem:s10], [sflag:$0x1] =	stream.indirect_vreg.gather [hbm4b:s3+s2], $0x80, v3, vm0, $0xb8;
	[tilespmem:$0xC080] =	vst v63  }
0x27: {  	_ = 	snop  }
0x28: {  	[tilespmem:s11], [sflag:$0x1] =	stream.indirect_vreg.gather [hbm4b:s4+s2], $0x80, v3, vm0, $0xb8;
	[tilespmem:$0xC080] =	vst v63  }
0x29: {  	_ = 	snop  }
0x2a: {  	[tilespmem:s12], [sflag:$0x1] =	stream.indirect_vreg.gather [hbm4b:s5+s2], $0x80, v3, vm0, $0xb8;
	[tilespmem:$0xC080] =	vst v63  }
0x2b: {  	v3 =	vld [tilespmem:$0x10];
	_ =	sdelay $0x4  }
0x2c: {  	v61 =	vshrl.u32 v3, $0x3  }
0x2d: {  	v4 =	vmul.u32 $0x30, v61  }
0x2e: {  	v3 =	vand.u32 $0x7, v3  }
0x2f: {  	v3 =	vor.u32 v3, v4  }
0x30: {  	v4 =	vperm.xlane v3, v0;
	_ =	sdelay $0x1  }
0x31: {  	v4 =	vadd.s32 v1, v4;
	_ =	sdelay $0x3  }
0x32: {  	v3 =	vperm.xlane v3, v2  }
0x33: {  	[tilespmem:s13], [sflag:$0x1] =	stream.indirect_vreg.gather [hbm4b:s3+s2], $0x80, v4, vm0, $0xb8;
	[tilespmem:$0xC080] =	vst v63  }
0x34: {  	v3 =	vadd.s32 v1, v3  }
0x35: {  	[tilespmem:s14], [sflag:$0x1] =	stream.indirect_vreg.gather [hbm4b:s4+s2], $0x80, v4, vm0, $0xb8;
	[tilespmem:$0xC080] =	vst v63  }
0x36: {  	_ = 	snop  }
0x37: {  	[tilespmem:s15], [sflag:$0x1] =	stream.indirect_vreg.gather [hbm4b:s5+s2], $0x80, v4, vm0, $0xb8;
	[tilespmem:$0xC080] =	vst v63  }
0x38: {  	_ = 	snop  }
0x39: {  	[tilespmem:s16], [sflag:$0x1] =	stream.indirect_vreg.gather [hbm4b:s3+s2], $0x80, v3, vm0, $0xb8;
	[tilespmem:$0xC080] =	vst v63  }
0x3a: {  	_ = 	snop  }
0x3b: {  	[tilespmem:s17], [sflag:$0x1] =	stream.indirect_vreg.gather [hbm4b:s4+s2], $0x80, v3, vm0, $0xb8;
	[tilespmem:$0xC080] =	vst v63  }
0x3c: {  	_ = 	snop  }
0x3d: {  	[tilespmem:s18], [sflag:$0x1] =	stream.indirect_vreg.gather [hbm4b:s5+s2], $0x80, v3, vm0, $0xb8;
	[tilespmem:$0xC080] =	vst v63  }
0x3e: {  	v3 =	vld [tilespmem:$0x20];
	_ =	sdelay $0x4  }
0x3f: {  	v62 =	vshrl.u32 v3, $0x3  }
0x40: {  	v4 =	vmul.u32 $0x30, v62  }
0x41: {  	v3 =	vand.u32 $0x7, v3  }
0x42: {  	v3 =	vor.u32 v3, v4  }
0x43: {  	v4 =	vperm.xlane v3, v0;
	_ =	sdelay $0x1  }
0x44: {  	v4 =	vadd.s32 v1, v4;
	_ =	sdelay $0x3  }
0x45: {  	v3 =	vperm.xlane v3, v2  }
0x46: {  	[tilespmem:s19], [sflag:$0x1] =	stream.indirect_vreg.gather [hbm4b:s3+s2], $0x80, v4, vm0, $0xb8;
	[tilespmem:$0xC080] =	vst v63  }
0x47: {  	v3 =	vadd.s32 v1, v3  }
0x48: {  	[tilespmem:s20], [sflag:$0x1] =	stream.indirect_vreg.gather [hbm4b:s4+s2], $0x80, v4, vm0, $0xb8;
	[tilespmem:$0xC080] =	vst v63  }
0x49: {  	_ = 	snop  }
0x4a: {  	[tilespmem:s21], [sflag:$0x1] =	stream.indirect_vreg.gather [hbm4b:s5+s2], $0x80, v4, vm0, $0xb8;
	[tilespmem:$0xC080] =	vst v63  }
0x4b: {  	_ = 	snop  }
0x4c: {  	[tilespmem:s22], [sflag:$0x1] =	stream.indirect_vreg.gather [hbm4b:s3+s2], $0x80, v3, vm0, $0xb8;
	[tilespmem:$0xC080] =	vst v63  }
0x4d: {  	_ = 	snop  }
0x4e: {  	[tilespmem:s23], [sflag:$0x1] =	stream.indirect_vreg.gather [hbm4b:s4+s2], $0x80, v3, vm0, $0xb8;
	[tilespmem:$0xC080] =	vst v63  }
0x4f: {  	_ = 	snop  }
0x50: {  	[tilespmem:s24], [sflag:$0x1] =	stream.indirect_vreg.gather [hbm4b:s5+s2], $0x80, v3, vm0, $0xb8;
	[tilespmem:$0xC080] =	vst v63  }
0x51: {  	v3 =	vld [tilespmem:$0x30];
	_ =	sdelay $0x4  }
0x52: {  	v63 =	vshrl.u32 v3, $0x3  }
0x53: {  	v4 =	vmul.u32 $0x30, v63  }
0x54: {  	v3 =	vand.u32 $0x7, v3  }
0x55: {  	v3 =	vor.u32 v3, v4  }
0x56: {  	v4 =	vperm.xlane v3, v0;
	_ =	sdelay $0x1  }
0x57: {  	v4 =	vadd.s32 v1, v4;
	_ =	sdelay $0x3  }
0x58: {  	v3 =	vperm.xlane v3, v2  }
0x59: {  	[tilespmem:s25], [sflag:$0x1] =	stream.indirect_vreg.gather [hbm4b:s3+s2], $0x80, v4, vm0, $0xb8;
	[tilespmem:$0xC080] =	vst v63  }
0x5a: {  	v3 =	vadd.s32 v1, v3  }
0x5b: {  	[tilespmem:s26], [sflag:$0x1] =	stream.indirect_vreg.gather [hbm4b:s4+s2], $0x80, v4, vm0, $0xb8;
	[tilespmem:$0xC080] =	vst v63  }
0x5c: {  	_ = 	snop  }
0x5d: {  	[tilespmem:s28], [sflag:$0x1] =	stream.indirect_vreg.gather [hbm4b:s5+s2], $0x80, v4, vm0, $0xb8;
	[tilespmem:$0xC080] =	vst v63  }
0x5e: {  	_ = 	snop  }
0x5f: {  	[tilespmem:s29], [sflag:$0x1] =	stream.indirect_vreg.gather [hbm4b:s3+s2], $0x80, v3, vm0, $0xb8;
	[tilespmem:$0xC080] =	vst v63  }
0x60: {  	_ = 	snop  }
0x61: {  	[tilespmem:s30], [sflag:$0x1] =	stream.indirect_vreg.gather [hbm4b:s4+s2], $0x80, v3, vm0, $0xb8;
	[tilespmem:$0xC080] =	vst v63  }
0x62: {  	_ = 	snop  }
0x63: {  	[tilespmem:s31], [sflag:$0x1] =	stream.indirect_vreg.gather [hbm4b:s5+s2], $0x80, v3, vm0, $0xb8;
	[tilespmem:$0xC080] =	vst v63  }
0x64: {  	_ =	swait.ge [sflag:s0], $0xC000  }
0x65: {  	p0 =	sne.s32 s6, $0x1;
	[sflag:s0] =	ssyncset.done $0x0  }
.Ltmp0:
0x66: {  	s1 =	rddreg [dreg:$0x4];
	[sflag:s0] =	ssyncadd.s32 $0xFFFF4000;
	(pc) =	sbr.rel @p0 .LBB2_1-.Ltmp0, $4  }
0x67: {  	[hbm4b:s1+s2] =	stream.linear.scatter [tilespmem:s8], [sflag:$0x2], $0xC000, $0x38;
	[tilespmem:$0xC080] =	vst v63  }
0x68: {  	_ =	swait.ge [sflag:s7], $0xC000  }
0x69: {  	[sflag:s7] =	ssyncset.done $0x0  }
0x6a: {  	s6 =	sadd.s32 $0xFFFFFFFF, s6;
	[sflag:s7] =	ssyncadd.s32 $0xFFFF4000  }
0x6b: {  	_ =	sfence.sel $0x180000  }
0x6c: {  	[bflag:$0x0] =	sbarrier.arrive $0xFFFF  }
0x6d: {  	_ =	strace $0x90000047  }
0x6e: {  	s0 =	stileid.u32;
	[bflag:$0x2] =	sbarrier.arrive $0xFFFF  }
0x6f: {  	p0 =	sne.s32 s0, $0x0;
	s0 =	rddreg [dreg:$0x2]  }
0x70: {  	s0 =	sadd.s32 @!p0 $0x100000, s0  }
0x71: {  	[sflag:s0] =	ssyncadd.tile.s32 @!p0 $0x1;
	_ =	shalt  }
.Lfunc_end2:
_tile_overlayer_lowered:
.L_overlay_start_2:
0x72: {  	(tag) =	ssettag $0x2  }
0x73: {  	s0 =	rddreg [dreg:$0x0];
	s2 =	stileid.u32  }
0x74: {  	s1 =	rddreg [dreg:$0x1];
	p0 =	sne.s32 s2, $0x0  }
0x75: {  	s3 =	rddreg [dreg:$0x2];
	[bflag:$0x3] =	sbarrier.arrive $0xFFFF;
	s2 =	simm.s32 @!p0 $0x1C02  }
0x76: {  	[timem:s3], [sflag:s2] =	dma.local @!p0 [hbm:s0], s1  }
0x77: {  	s0 =	simm.s32 @!p0 $0x2  }
0x78: {  	_ =	swait.ge @!p0 [sflag:s0], s1  }
0x79: {  	s1 =	ssub.s32 @!p0 $0x0, s1;
	[sflag:s0] =	ssyncset.done @!p0 $0x0  }
0x7a: {  	[sflag:s0] =	ssyncadd.s32 @!p0 s1  }
0x7b: {  	[bflag:$0x3] =	sbarrier.arrive $0xFFFF  }
0x7c: {  	_ =	shalt  }

</sc_bundles>
